<compile_context>
chip_gen: v7x
topology: tpu7x:2x2x1
jax: 0.10.2.dev20260603
libtpu: 0.0.44.dev20260713+nightly
codegen_flags: <defaults>
</compile_context>

<pallas_src>
import functools

import jax
import jax.numpy as jnp
from jax import lax
from jax.experimental import pallas as pl
from jax.experimental.pallas import tpu as pltpu
from jax.experimental.pallas import tpu_sc as plsc

EMBED_DIM = 32
NBUF = 8


@functools.lru_cache(maxsize=None)
def _make_gather(b_total: int, chunk: int, table_rows: int):
    info = plsc.get_sparse_core_info()
    num_cores, num_subcores = info.num_cores, info.num_subcores
    num_workers = num_cores * num_subcores
    b_per_w = b_total // num_workers
    assert b_per_w * num_workers == b_total
    n_chunks = b_per_w // chunk
    assert n_chunks * chunk == b_per_w
    assert n_chunks % NBUF == 0
    half = NBUF // 2
    mesh = plsc.VectorSubcoreMesh(core_axis_name="c", subcore_axis_name="s")

    @functools.partial(
        pl.kernel,
        mesh=mesh,
        out_type=jax.ShapeDtypeStruct((b_total, EMBED_DIM), jnp.float32),
        scratch_types=[
            pltpu.VMEM_SHARED((table_rows + 1, EMBED_DIM), jnp.float32),
            pltpu.VMEM((NBUF, chunk), jnp.int32),
            [pltpu.VMEM((chunk, EMBED_DIM), jnp.float32) for _ in range(NBUF)],
            [pltpu.SemaphoreType.DMA for _ in range(NBUF)],
            [pltpu.SemaphoreType.DMA for _ in range(NBUF)],
            [pltpu.SemaphoreType.DMA for _ in range(NBUF)],
        ],
        compiler_params=pltpu.CompilerParams(use_tc_tiling_on_sc=False),
    )
    def gather_kernel(table_hbm, idx_hbm, out_2d, table_sh, idx_v, rows, gsem, ssem, isem):
        sid = lax.axis_index("s")
        wid = sid * num_cores + lax.axis_index("c")
        base = wid * b_per_w

        @pl.when(sid == 0)
        def _():
            pltpu.sync_copy(table_hbm, table_sh)

        plsc.subcore_barrier()

        def fire_idx(b, c):
            pltpu.async_copy(
                idx_hbm.at[pl.ds(base + c * chunk, chunk)], idx_v.at[b], isem[b]
            )

        def fire_gather(b):
            pltpu.make_async_copy(
                idx_hbm.at[pl.ds(0, chunk)], idx_v.at[b], isem[b]
            ).wait()
            pltpu.async_copy(table_sh.at[idx_v.at[b]], rows[b], gsem[b])

        def store_of(b, c):
            return pltpu.make_async_copy(
                rows[b],
                out_2d.at[pl.ds(base + c * chunk, chunk)],
                ssem[b],
            )

        for b in range(NBUF):
            fire_idx(b, b)
        for b in range(half):
            fire_gather(b)

        def body(g, carry):
            for b in range(NBUF):
                b2 = (b + half) % NBUF
                s = NBUF * g + b
                pltpu.make_async_copy(table_sh.at[idx_v.at[b]], rows[b], gsem[b]).wait()
                store_of(b, s).start()

                @pl.when(s + NBUF < n_chunks)
                def _():
                    fire_idx(b, s + NBUF)

                @pl.when(s >= half)
                def _():
                    store_of(b2, s - half).wait()

                @pl.when(s + half < n_chunks)
                def _():
                    fire_gather(b2)

            return carry

        lax.fori_loop(0, n_chunks // NBUF, body, 0)

        for c in range(n_chunks - half, n_chunks):
            store_of(c % NBUF, c).wait()

    return gather_kernel


def kernel(tensor, int_to_feat_matrix, extra_embeddings):
    batch, fields = tensor.shape
    idx = tensor.reshape(-1).astype(jnp.int32)
    table = jnp.concatenate([int_to_feat_matrix, extra_embeddings], axis=0)
    rows = _make_gather(batch * fields, 400, int_to_feat_matrix.shape[0])(table, idx)
    return rows.reshape(batch, fields * EMBED_DIM)

# --- scband reference (transcript-rebuilt; emitter-appended) ---
"""Pipeline reference for scband-int-featurizer-9826885173954 (READ-ONLY COPY).

The authoritative reference and input builder live on the scoring server;
editing this copy changes nothing except your own understanding.
"""

import jax, jax.numpy as jnp
import numpy as np

MAX_COUNT_INT = 255
NUM_EXTRA_EMBEDDINGS = 1
EMBED_DIM = 32
BATCH = 16384
FIELDS = 100


def setup_inputs(seed: int = 0) -> dict:
    key = jax.random.key(seed)
    k1, k2, k3 = jax.random.split(key, 3)
    # integer count features in [0, 256); values >= MAX_COUNT_INT (i.e. == 255)
    # route to the extra-embedding table (index value-255 in [0, NUM_EXTRA_EMBEDDINGS))
    tensor = jax.random.randint(k1, (BATCH, FIELDS), 0, 256, dtype=jnp.int32)
    # learned parameters: int_to_feat_matrix (buffer/table in subclasses) and
    # _extra_embeddings (nn.Parameter, init normal(0,1))
    int_to_feat_matrix = jax.random.normal(k2, (MAX_COUNT_INT, EMBED_DIM), dtype=jnp.float32)
    extra_embeddings = jax.random.normal(k3, (NUM_EXTRA_EMBEDDINGS, EMBED_DIM), dtype=jnp.float32)
    return {
        "tensor": tensor,
        "int_to_feat_matrix": int_to_feat_matrix,
        "extra_embeddings": extra_embeddings,
    }


def reference(tensor, int_to_feat_matrix, extra_embeddings):
    # extra_embed mask: counts >= MAX_COUNT_INT use the extra embedding table
    extra_mask = tensor >= MAX_COUNT_INT
    tensor = tensor.astype(jnp.int32)
    # gather from the normal table for in-range counts (clip keeps indices valid;
    # masked lanes are discarded by the where)
    norm_idx = jnp.clip(tensor, 0, MAX_COUNT_INT - 1)
    extra_idx = jnp.clip(tensor - MAX_COUNT_INT, 0, NUM_EXTRA_EMBEDDINGS - 1)
    norm_embeds = jnp.take(int_to_feat_matrix, norm_idx, axis=0)
    extra_embeds = jnp.take(extra_embeddings, extra_idx, axis=0)
    out_tensor = jnp.where(extra_mask[..., None], extra_embeds, norm_embeds)
    # reshape (*orig_shape[:-1], -1): fold last index dim into feature dim
    orig_shape = tensor.shape
    temp_out = out_tensor.reshape(*orig_shape[:-1], -1)
    return temp_out

if __name__ == "__main__":
    import jax
    _d = setup_inputs()
    print(jax.jit(kernel)(*tuple(_d.values())))

</pallas_src>

<mosaic_0001>
#map = affine_map<(d0, d1) -> (0, 0)>
#map1 = affine_map<(d0, d1) -> (0)>
module attributes {stable_mosaic.version = 14 : i64} {
  func.func @gather_kernel(%arg0: i32, %arg1: i32, %arg2: memref<256x32xf32, #tpu.memory_space<hbm>>, %arg3: memref<1638400xi32, #tpu.memory_space<hbm>>, %arg4: memref<1638400x32xf32, #tpu.memory_space<hbm>>, %arg5: memref<256x32xf32, #tpu.memory_space<vmem_shared>>, %arg6: memref<8x400xi32, #tpu.memory_space<vmem>>, %arg7: memref<400x32xf32, #tpu.memory_space<vmem>>, %arg8: memref<400x32xf32, #tpu.memory_space<vmem>>, %arg9: memref<400x32xf32, #tpu.memory_space<vmem>>, %arg10: memref<400x32xf32, #tpu.memory_space<vmem>>, %arg11: memref<400x32xf32, #tpu.memory_space<vmem>>, %arg12: memref<400x32xf32, #tpu.memory_space<vmem>>, %arg13: memref<400x32xf32, #tpu.memory_space<vmem>>, %arg14: memref<400x32xf32, #tpu.memory_space<vmem>>, %arg15: memref<!tpu.dma_semaphore, #tpu.memory_space<semaphore_mem>>, %arg16: memref<!tpu.dma_semaphore, #tpu.memory_space<semaphore_mem>>, %arg17: memref<!tpu.dma_semaphore, #tpu.memory_space<semaphore_mem>>, %arg18: memref<!tpu.dma_semaphore, #tpu.memory_space<semaphore_mem>>, %arg19: memref<!tpu.dma_semaphore, #tpu.memory_space<semaphore_mem>>, %arg20: memref<!tpu.dma_semaphore, #tpu.memory_space<semaphore_mem>>, %arg21: memref<!tpu.dma_semaphore, #tpu.memory_space<semaphore_mem>>, %arg22: memref<!tpu.dma_semaphore, #tpu.memory_space<semaphore_mem>>, %arg23: memref<!tpu.dma_semaphore, #tpu.memory_space<semaphore_mem>>, %arg24: memref<!tpu.dma_semaphore, #tpu.memory_space<semaphore_mem>>, %arg25: memref<!tpu.dma_semaphore, #tpu.memory_space<semaphore_mem>>, %arg26: memref<!tpu.dma_semaphore, #tpu.memory_space<semaphore_mem>>, %arg27: memref<!tpu.dma_semaphore, #tpu.memory_space<semaphore_mem>>, %arg28: memref<!tpu.dma_semaphore, #tpu.memory_space<semaphore_mem>>, %arg29: memref<!tpu.dma_semaphore, #tpu.memory_space<semaphore_mem>>, %arg30: memref<!tpu.dma_semaphore, #tpu.memory_space<semaphore_mem>>, %arg31: memref<!tpu.dma_semaphore, #tpu.memory_space<semaphore_mem>>, %arg32: memref<!tpu.dma_semaphore, #tpu.memory_space<semaphore_mem>>, %arg33: memref<!tpu.dma_semaphore, #tpu.memory_space<semaphore_mem>>, %arg34: memref<!tpu.dma_semaphore, #tpu.memory_space<semaphore_mem>>, %arg35: memref<!tpu.dma_semaphore, #tpu.memory_space<semaphore_mem>>, %arg36: memref<!tpu.dma_semaphore, #tpu.memory_space<semaphore_mem>>, %arg37: memref<!tpu.dma_semaphore, #tpu.memory_space<semaphore_mem>>, %arg38: memref<!tpu.dma_semaphore, #tpu.memory_space<semaphore_mem>>) attributes {dimension_semantics = [#tpu.dimension_semantics<core_parallel>, #tpu.dimension_semantics<subcore_parallel>], iteration_bounds = array<i64: 2, 16>, scalar_prefetch = 0 : i64, scratch_operands = 34 : i64, tpu.core_type = #tpu.core_type<sc_vector_subcore>, window_params = [{transform_indices = #map}, {transform_indices = #map1}, {transform_indices = #map}]} {
    %mul3A = arith.constant 2 : i32
    %mul3A_0 = arith.muli %arg1, %mul3A : i32
    %add3A = arith.addi %mul3A_0, %arg0 : i32
    %mul3A_1 = arith.constant 51200 : i32
    %mul3A_2 = arith.muli %add3A, %mul3A_1 : i32
    %eq3A = arith.constant 0 : i32
    %eq3A_3 = arith.cmpi eq, %arg1, %eq3A : i32
    %convert_element_type3A = arith.extui %eq3A_3 : i1 to i32
    %cond3A = arith.constant 0 : i32
    %cond3A_4 = arith.cmpi ne, %convert_element_type3A, %cond3A : i32
    scf.if %cond3A_4 {
      "tpu.region"() ({
        %run_scoped3A = tpu.sem_alloc : memref<!tpu.dma_semaphore, #tpu.memory_space<semaphore_mem>>
        tpu.enqueue_dma source(%arg2 : memref<256x32xf32, #tpu.memory_space<hbm>>) target(%arg5 : memref<256x32xf32, #tpu.memory_space<vmem_shared>>) target_semaphore(%run_scoped3A : memref<!tpu.dma_semaphore, #tpu.memory_space<semaphore_mem>>)
        tpu.wait_dma2 semaphore(%run_scoped3A : memref<!tpu.dma_semaphore, #tpu.memory_space<semaphore_mem>>) src(%arg2 : memref<256x32xf32, #tpu.memory_space<hbm>>) dst(%arg5 : memref<256x32xf32, #tpu.memory_space<vmem_shared>>)
        tpu.yield
      }) : () -> ()
    } else {
    }
    %barrier3A = arith.constant 0 : index
    tpu.barrier barrier_id(%barrier3A)
    %add3A_5 = arith.constant 0 : i32
    %add3A_6 = arith.addi %mul3A_2, %add3A_5 : i32
    %dma_start3A = arith.constant 0 : i32
    %dma_start3A_7 = arith.constant 0 : i32
    %dma_start3A_8 = tpu.memref_slice %arg6[%dma_start3A, %dma_start3A_7] : memref<8x400xi32, #tpu.memory_space<vmem>> -> memref<1x400xi32, #tpu.memory_space<vmem>>
    %dma_start3A_9 = tpu.memref_squeeze %dma_start3A_8 : memref<1x400xi32, #tpu.memory_space<vmem>> -> memref<400xi32, #tpu.memory_space<vmem>>
    %dma_start3A_10 = tpu.memref_slice %arg3[%add3A_6] : memref<1638400xi32, #tpu.memory_space<hbm>> -> memref<400xi32, #tpu.memory_space<hbm>>
    %dma_start3A_11 = arith.constant 0 : i32
    %dma_start3A_12 = tpu.memref_slice %arg6[%dma_start3A, %dma_start3A_11] : memref<8x400xi32, #tpu.memory_space<vmem>> -> memref<1x400xi32, #tpu.memory_space<vmem>>
    %dma_start3A_13 = tpu.memref_squeeze %dma_start3A_12 : memref<1x400xi32, #tpu.memory_space<vmem>> -> memref<400xi32, #tpu.memory_space<vmem>>
    %dma_start3A_14 = tpu.memref_slice %arg3[%add3A_6] : memref<1638400xi32, #tpu.memory_space<hbm>> -> memref<400xi32, #tpu.memory_space<hbm>>
    tpu.enqueue_dma source(%dma_start3A_14 : memref<400xi32, #tpu.memory_space<hbm>>) target(%dma_start3A_13 : memref<400xi32, #tpu.memory_space<vmem>>) target_semaphore(%arg31 : memref<!tpu.dma_semaphore, #tpu.memory_space<semaphore_mem>>)
    %add3A_15 = arith.constant 400 : i32
    %add3A_16 = arith.addi %mul3A_2, %add3A_15 : i32
    %dma_start3A_17 = arith.constant 1 : i32
    %dma_start3A_18 = arith.constant 0 : i32
    %dma_start3A_19 = tpu.memref_slice %arg6[%dma_start3A_17, %dma_start3A_18] : memref<8x400xi32, #tpu.memory_space<vmem>> -> memref<1x400xi32, #tpu.memory_space<vmem>>
    %dma_start3A_20 = tpu.memref_squeeze %dma_start3A_19 : memref<1x400xi32, #tpu.memory_space<vmem>> -> memref<400xi32, #tpu.memory_space<vmem>>
    %dma_start3A_21 = tpu.memref_slice %arg3[%add3A_16] : memref<1638400xi32, #tpu.memory_space<hbm>> -> memref<400xi32, #tpu.memory_space<hbm>>
    %dma_start3A_22 = arith.constant 0 : i32
    %dma_start3A_23 = tpu.memref_slice %arg6[%dma_start3A_17, %dma_start3A_22] : memref<8x400xi32, #tpu.memory_space<vmem>> -> memref<1x400xi32, #tpu.memory_space<vmem>>
    %dma_start3A_24 = tpu.memref_squeeze %dma_start3A_23 : memref<1x400xi32, #tpu.memory_space<vmem>> -> memref<400xi32, #tpu.memory_space<vmem>>
    %dma_start3A_25 = tpu.memref_slice %arg3[%add3A_16] : memref<1638400xi32, #tpu.memory_space<hbm>> -> memref<400xi32, #tpu.memory_space<hbm>>
    tpu.enqueue_dma source(%dma_start3A_25 : memref<400xi32, #tpu.memory_space<hbm>>) target(%dma_start3A_24 : memref<400xi32, #tpu.memory_space<vmem>>) target_semaphore(%arg32 : memref<!tpu.dma_semaphore, #tpu.memory_space<semaphore_mem>>)
    %add3A_26 = arith.constant 800 : i32
    %add3A_27 = arith.addi %mul3A_2, %add3A_26 : i32
    %dma_start3A_28 = arith.constant 2 : i32
    %dma_start3A_29 = arith.constant 0 : i32
    %dma_start3A_30 = tpu.memref_slice %arg6[%dma_start3A_28, %dma_start3A_29] : memref<8x400xi32, #tpu.memory_space<vmem>> -> memref<1x400xi32, #tpu.memory_space<vmem>>
    %dma_start3A_31 = tpu.memref_squeeze %dma_start3A_30 : memref<1x400xi32, #tpu.memory_space<vmem>> -> memref<400xi32, #tpu.memory_space<vmem>>
    %dma_start3A_32 = tpu.memref_slice %arg3[%add3A_27] : memref<1638400xi32, #tpu.memory_space<hbm>> -> memref<400xi32, #tpu.memory_space<hbm>>
    %dma_start3A_33 = arith.constant 0 : i32
    %dma_start3A_34 = tpu.memref_slice %arg6[%dma_start3A_28, %dma_start3A_33] : memref<8x400xi32, #tpu.memory_space<vmem>> -> memref<1x400xi32, #tpu.memory_space<vmem>>
    %dma_start3A_35 = tpu.memref_squeeze %dma_start3A_34 : memref<1x400xi32, #tpu.memory_space<vmem>> -> memref<400xi32, #tpu.memory_space<vmem>>
    %dma_start3A_36 = tpu.memref_slice %arg3[%add3A_27] : memref<1638400xi32, #tpu.memory_space<hbm>> -> memref<400xi32, #tpu.memory_space<hbm>>
    tpu.enqueue_dma source(%dma_start3A_36 : memref<400xi32, #tpu.memory_space<hbm>>) target(%dma_start3A_35 : memref<400xi32, #tpu.memory_space<vmem>>) target_semaphore(%arg33 : memref<!tpu.dma_semaphore, #tpu.memory_space<semaphore_mem>>)
    %add3A_37 = arith.constant 1200 : i32
    %add3A_38 = arith.addi %mul3A_2, %add3A_37 : i32
    %dma_start3A_39 = arith.constant 3 : i32
    %dma_start3A_40 = arith.constant 0 : i32
    %dma_start3A_41 = tpu.memref_slice %arg6[%dma_start3A_39, %dma_start3A_40] : memref<8x400xi32, #tpu.memory_space<vmem>> -> memref<1x400xi32, #tpu.memory_space<vmem>>
    %dma_start3A_42 = tpu.memref_squeeze %dma_start3A_41 : memref<1x400xi32, #tpu.memory_space<vmem>> -> memref<400xi32, #tpu.memory_space<vmem>>
    %dma_start3A_43 = tpu.memref_slice %arg3[%add3A_38] : memref<1638400xi32, #tpu.memory_space<hbm>> -> memref<400xi32, #tpu.memory_space<hbm>>
    %dma_start3A_44 = arith.constant 0 : i32
    %dma_start3A_45 = tpu.memref_slice %arg6[%dma_start3A_39, %dma_start3A_44] : memref<8x400xi32, #tpu.memory_space<vmem>> -> memref<1x400xi32, #tpu.memory_space<vmem>>
    %dma_start3A_46 = tpu.memref_squeeze %dma_start3A_45 : memref<1x400xi32, #tpu.memory_space<vmem>> -> memref<400xi32, #tpu.memory_space<vmem>>
    %dma_start3A_47 = tpu.memref_slice %arg3[%add3A_38] : memref<1638400xi32, #tpu.memory_space<hbm>> -> memref<400xi32, #tpu.memory_space<hbm>>
    tpu.enqueue_dma source(%dma_start3A_47 : memref<400xi32, #tpu.memory_space<hbm>>) target(%dma_start3A_46 : memref<400xi32, #tpu.memory_space<vmem>>) target_semaphore(%arg34 : memref<!tpu.dma_semaphore, #tpu.memory_space<semaphore_mem>>)
    %add3A_48 = arith.constant 1600 : i32
    %add3A_49 = arith.addi %mul3A_2, %add3A_48 : i32
    %dma_start3A_50 = arith.constant 4 : i32
    %dma_start3A_51 = arith.constant 0 : i32
    %dma_start3A_52 = tpu.memref_slice %arg6[%dma_start3A_50, %dma_start3A_51] : memref<8x400xi32, #tpu.memory_space<vmem>> -> memref<1x400xi32, #tpu.memory_space<vmem>>
    %dma_start3A_53 = tpu.memref_squeeze %dma_start3A_52 : memref<1x400xi32, #tpu.memory_space<vmem>> -> memref<400xi32, #tpu.memory_space<vmem>>
    %dma_start3A_54 = tpu.memref_slice %arg3[%add3A_49] : memref<1638400xi32, #tpu.memory_space<hbm>> -> memref<400xi32, #tpu.memory_space<hbm>>
    %dma_start3A_55 = arith.constant 0 : i32
    %dma_start3A_56 = tpu.memref_slice %arg6[%dma_start3A_50, %dma_start3A_55] : memref<8x400xi32, #tpu.memory_space<vmem>> -> memref<1x400xi32, #tpu.memory_space<vmem>>
    %dma_start3A_57 = tpu.memref_squeeze %dma_start3A_56 : memref<1x400xi32, #tpu.memory_space<vmem>> -> memref<400xi32, #tpu.memory_space<vmem>>
    %dma_start3A_58 = tpu.memref_slice %arg3[%add3A_49] : memref<1638400xi32, #tpu.memory_space<hbm>> -> memref<400xi32, #tpu.memory_space<hbm>>
    tpu.enqueue_dma source(%dma_start3A_58 : memref<400xi32, #tpu.memory_space<hbm>>) target(%dma_start3A_57 : memref<400xi32, #tpu.memory_space<vmem>>) target_semaphore(%arg35 : memref<!tpu.dma_semaphore, #tpu.memory_space<semaphore_mem>>)
    %add3A_59 = arith.constant 2000 : i32
    %add3A_60 = arith.addi %mul3A_2, %add3A_59 : i32
    %dma_start3A_61 = arith.constant 5 : i32
    %dma_start3A_62 = arith.constant 0 : i32
    %dma_start3A_63 = tpu.memref_slice %arg6[%dma_start3A_61, %dma_start3A_62] : memref<8x400xi32, #tpu.memory_space<vmem>> -> memref<1x400xi32, #tpu.memory_space<vmem>>
    %dma_start3A_64 = tpu.memref_squeeze %dma_start3A_63 : memref<1x400xi32, #tpu.memory_space<vmem>> -> memref<400xi32, #tpu.memory_space<vmem>>
    %dma_start3A_65 = tpu.memref_slice %arg3[%add3A_60] : memref<1638400xi32, #tpu.memory_space<hbm>> -> memref<400xi32, #tpu.memory_space<hbm>>
    %dma_start3A_66 = arith.constant 0 : i32
    %dma_start3A_67 = tpu.memref_slice %arg6[%dma_start3A_61, %dma_start3A_66] : memref<8x400xi32, #tpu.memory_space<vmem>> -> memref<1x400xi32, #tpu.memory_space<vmem>>
    %dma_start3A_68 = tpu.memref_squeeze %dma_start3A_67 : memref<1x400xi32, #tpu.memory_space<vmem>> -> memref<400xi32, #tpu.memory_space<vmem>>
    %dma_start3A_69 = tpu.memref_slice %arg3[%add3A_60] : memref<1638400xi32, #tpu.memory_space<hbm>> -> memref<400xi32, #tpu.memory_space<hbm>>
    tpu.enqueue_dma source(%dma_start3A_69 : memref<400xi32, #tpu.memory_space<hbm>>) target(%dma_start3A_68 : memref<400xi32, #tpu.memory_space<vmem>>) target_semaphore(%arg36 : memref<!tpu.dma_semaphore, #tpu.memory_space<semaphore_mem>>)
    %add3A_70 = arith.constant 2400 : i32
    %add3A_71 = arith.addi %mul3A_2, %add3A_70 : i32
    %dma_start3A_72 = arith.constant 6 : i32
    %dma_start3A_73 = arith.constant 0 : i32
    %dma_start3A_74 = tpu.memref_slice %arg6[%dma_start3A_72, %dma_start3A_73] : memref<8x400xi32, #tpu.memory_space<vmem>> -> memref<1x400xi32, #tpu.memory_space<vmem>>
    %dma_start3A_75 = tpu.memref_squeeze %dma_start3A_74 : memref<1x400xi32, #tpu.memory_space<vmem>> -> memref<400xi32, #tpu.memory_space<vmem>>
    %dma_start3A_76 = tpu.memref_slice %arg3[%add3A_71] : memref<1638400xi32, #tpu.memory_space<hbm>> -> memref<400xi32, #tpu.memory_space<hbm>>
    %dma_start3A_77 = arith.constant 0 : i32
    %dma_start3A_78 = tpu.memref_slice %arg6[%dma_start3A_72, %dma_start3A_77] : memref<8x400xi32, #tpu.memory_space<vmem>> -> memref<1x400xi32, #tpu.memory_space<vmem>>
    %dma_start3A_79 = tpu.memref_squeeze %dma_start3A_78 : memref<1x400xi32, #tpu.memory_space<vmem>> -> memref<400xi32, #tpu.memory_space<vmem>>
    %dma_start3A_80 = tpu.memref_slice %arg3[%add3A_71] : memref<1638400xi32, #tpu.memory_space<hbm>> -> memref<400xi32, #tpu.memory_space<hbm>>
    tpu.enqueue_dma source(%dma_start3A_80 : memref<400xi32, #tpu.memory_space<hbm>>) target(%dma_start3A_79 : memref<400xi32, #tpu.memory_space<vmem>>) target_semaphore(%arg37 : memref<!tpu.dma_semaphore, #tpu.memory_space<semaphore_mem>>)
    %add3A_81 = arith.constant 2800 : i32
    %add3A_82 = arith.addi %mul3A_2, %add3A_81 : i32
    %dma_start3A_83 = arith.constant 7 : i32
    %dma_start3A_84 = arith.constant 0 : i32
    %dma_start3A_85 = tpu.memref_slice %arg6[%dma_start3A_83, %dma_start3A_84] : memref<8x400xi32, #tpu.memory_space<vmem>> -> memref<1x400xi32, #tpu.memory_space<vmem>>
    %dma_start3A_86 = tpu.memref_squeeze %dma_start3A_85 : memref<1x400xi32, #tpu.memory_space<vmem>> -> memref<400xi32, #tpu.memory_space<vmem>>
    %dma_start3A_87 = tpu.memref_slice %arg3[%add3A_82] : memref<1638400xi32, #tpu.memory_space<hbm>> -> memref<400xi32, #tpu.memory_space<hbm>>
    %dma_start3A_88 = arith.constant 0 : i32
    %dma_start3A_89 = tpu.memref_slice %arg6[%dma_start3A_83, %dma_start3A_88] : memref<8x400xi32, #tpu.memory_space<vmem>> -> memref<1x400xi32, #tpu.memory_space<vmem>>
    %dma_start3A_90 = tpu.memref_squeeze %dma_start3A_89 : memref<1x400xi32, #tpu.memory_space<vmem>> -> memref<400xi32, #tpu.memory_space<vmem>>
    %dma_start3A_91 = tpu.memref_slice %arg3[%add3A_82] : memref<1638400xi32, #tpu.memory_space<hbm>> -> memref<400xi32, #tpu.memory_space<hbm>>
    tpu.enqueue_dma source(%dma_start3A_91 : memref<400xi32, #tpu.memory_space<hbm>>) target(%dma_start3A_90 : memref<400xi32, #tpu.memory_space<vmem>>) target_semaphore(%arg38 : memref<!tpu.dma_semaphore, #tpu.memory_space<semaphore_mem>>)
    %dma_wait3A = arith.constant 0 : i32
    %dma_wait3A_92 = arith.constant 0 : i32
    %dma_wait3A_93 = tpu.memref_slice %arg6[%dma_wait3A, %dma_wait3A_92] : memref<8x400xi32, #tpu.memory_space<vmem>> -> memref<1x400xi32, #tpu.memory_space<vmem>>
    %dma_wait3A_94 = tpu.memref_squeeze %dma_wait3A_93 : memref<1x400xi32, #tpu.memory_space<vmem>> -> memref<400xi32, #tpu.memory_space<vmem>>
    %dma_wait3A_95 = arith.constant 0 : i32
    %dma_wait3A_96 = tpu.memref_slice %arg3[%dma_wait3A_95] : memref<1638400xi32, #tpu.memory_space<hbm>> -> memref<400xi32, #tpu.memory_space<hbm>>
    %dma_wait3A_97 = arith.constant 0 : i32
    %dma_wait3A_98 = tpu.memref_slice %arg6[%dma_wait3A, %dma_wait3A_97] : memref<8x400xi32, #tpu.memory_space<vmem>> -> memref<1x400xi32, #tpu.memory_space<vmem>>
    %dma_wait3A_99 = tpu.memref_squeeze %dma_wait3A_98 : memref<1x400xi32, #tpu.memory_space<vmem>> -> memref<400xi32, #tpu.memory_space<vmem>>
    %dma_wait3A_100 = arith.constant 0 : i32
    %dma_wait3A_101 = tpu.memref_slice %arg3[%dma_wait3A_100] : memref<1638400xi32, #tpu.memory_space<hbm>> -> memref<400xi32, #tpu.memory_space<hbm>>
    tpu.wait_dma2 semaphore(%arg31 : memref<!tpu.dma_semaphore, #tpu.memory_space<semaphore_mem>>) src(%dma_wait3A_101 : memref<400xi32, #tpu.memory_space<hbm>>) dst(%dma_wait3A_99 : memref<400xi32, #tpu.memory_space<vmem>>)
    %dma_start3A_102 = arith.constant 0 : i32
    %dma_start3A_103 = arith.constant 0 : i32
    %dma_start3A_104 = tpu.memref_slice %arg6[%dma_start3A_102, %dma_start3A_103] : memref<8x400xi32, #tpu.memory_space<vmem>> -> memref<1x400xi32, #tpu.memory_space<vmem>>
    %dma_start3A_105 = tpu.memref_squeeze %dma_start3A_104 : memref<1x400xi32, #tpu.memory_space<vmem>> -> memref<400xi32, #tpu.memory_space<vmem>>
    %dma_start3A_106 = arith.constant 0 : i32
    %dma_start3A_107 = arith.constant 0 : i32
    %dma_start3A_108 = tpu.memref_slice %arg5[%dma_start3A_106, %dma_start3A_107] : memref<256x32xf32, #tpu.memory_space<vmem_shared>> -> memref<256x32xf32, #tpu.memory_space<vmem_shared>>
    tpu.enqueue_indirect_dma source(%dma_start3A_108 : memref<256x32xf32, #tpu.memory_space<vmem_shared>>) target(%arg7 : memref<400x32xf32, #tpu.memory_space<vmem>>) offsets(%dma_start3A_105 : memref<400xi32, #tpu.memory_space<vmem>>) semaphore(%arg15 : memref<!tpu.dma_semaphore, #tpu.memory_space<semaphore_mem>>)
    %dma_wait3A_109 = arith.constant 1 : i32
    %dma_wait3A_110 = arith.constant 0 : i32
    %dma_wait3A_111 = tpu.memref_slice %arg6[%dma_wait3A_109, %dma_wait3A_110] : memref<8x400xi32, #tpu.memory_space<vmem>> -> memref<1x400xi32, #tpu.memory_space<vmem>>
    %dma_wait3A_112 = tpu.memref_squeeze %dma_wait3A_111 : memref<1x400xi32, #tpu.memory_space<vmem>> -> memref<400xi32, #tpu.memory_space<vmem>>
    %dma_wait3A_113 = arith.constant 0 : i32
    %dma_wait3A_114 = tpu.memref_slice %arg3[%dma_wait3A_113] : memref<1638400xi32, #tpu.memory_space<hbm>> -> memref<400xi32, #tpu.memory_space<hbm>>
    %dma_wait3A_115 = arith.constant 0 : i32
    %dma_wait3A_116 = tpu.memref_slice %arg6[%dma_wait3A_109, %dma_wait3A_115] : memref<8x400xi32, #tpu.memory_space<vmem>> -> memref<1x400xi32, #tpu.memory_space<vmem>>
    %dma_wait3A_117 = tpu.memref_squeeze %dma_wait3A_116 : memref<1x400xi32, #tpu.memory_space<vmem>> -> memref<400xi32, #tpu.memory_space<vmem>>
    %dma_wait3A_118 = arith.constant 0 : i32
    %dma_wait3A_119 = tpu.memref_slice %arg3[%dma_wait3A_118] : memref<1638400xi32, #tpu.memory_space<hbm>> -> memref<400xi32, #tpu.memory_space<hbm>>
    tpu.wait_dma2 semaphore(%arg32 : memref<!tpu.dma_semaphore, #tpu.memory_space<semaphore_mem>>) src(%dma_wait3A_119 : memref<400xi32, #tpu.memory_space<hbm>>) dst(%dma_wait3A_117 : memref<400xi32, #tpu.memory_space<vmem>>)
    %dma_start3A_120 = arith.constant 1 : i32
    %dma_start3A_121 = arith.constant 0 : i32
    %dma_start3A_122 = tpu.memref_slice %arg6[%dma_start3A_120, %dma_start3A_121] : memref<8x400xi32, #tpu.memory_space<vmem>> -> memref<1x400xi32, #tpu.memory_space<vmem>>
    %dma_start3A_123 = tpu.memref_squeeze %dma_start3A_122 : memref<1x400xi32, #tpu.memory_space<vmem>> -> memref<400xi32, #tpu.memory_space<vmem>>
    %dma_start3A_124 = arith.constant 0 : i32
    %dma_start3A_125 = arith.constant 0 : i32
    %dma_start3A_126 = tpu.memref_slice %arg5[%dma_start3A_124, %dma_start3A_125] : memref<256x32xf32, #tpu.memory_space<vmem_shared>> -> memref<256x32xf32, #tpu.memory_space<vmem_shared>>
    tpu.enqueue_indirect_dma source(%dma_start3A_126 : memref<256x32xf32, #tpu.memory_space<vmem_shared>>) target(%arg8 : memref<400x32xf32, #tpu.memory_space<vmem>>) offsets(%dma_start3A_123 : memref<400xi32, #tpu.memory_space<vmem>>) semaphore(%arg16 : memref<!tpu.dma_semaphore, #tpu.memory_space<semaphore_mem>>)
    %dma_wait3A_127 = arith.constant 2 : i32
    %dma_wait3A_128 = arith.constant 0 : i32
    %dma_wait3A_129 = tpu.memref_slice %arg6[%dma_wait3A_127, %dma_wait3A_128] : memref<8x400xi32, #tpu.memory_space<vmem>> -> memref<1x400xi32, #tpu.memory_space<vmem>>
    %dma_wait3A_130 = tpu.memref_squeeze %dma_wait3A_129 : memref<1x400xi32, #tpu.memory_space<vmem>> -> memref<400xi32, #tpu.memory_space<vmem>>
    %dma_wait3A_131 = arith.constant 0 : i32
    %dma_wait3A_132 = tpu.memref_slice %arg3[%dma_wait3A_131] : memref<1638400xi32, #tpu.memory_space<hbm>> -> memref<400xi32, #tpu.memory_space<hbm>>
    %dma_wait3A_133 = arith.constant 0 : i32
    %dma_wait3A_134 = tpu.memref_slice %arg6[%dma_wait3A_127, %dma_wait3A_133] : memref<8x400xi32, #tpu.memory_space<vmem>> -> memref<1x400xi32, #tpu.memory_space<vmem>>
    %dma_wait3A_135 = tpu.memref_squeeze %dma_wait3A_134 : memref<1x400xi32, #tpu.memory_space<vmem>> -> memref<400xi32, #tpu.memory_space<vmem>>
    %dma_wait3A_136 = arith.constant 0 : i32
    %dma_wait3A_137 = tpu.memref_slice %arg3[%dma_wait3A_136] : memref<1638400xi32, #tpu.memory_space<hbm>> -> memref<400xi32, #tpu.memory_space<hbm>>
    tpu.wait_dma2 semaphore(%arg33 : memref<!tpu.dma_semaphore, #tpu.memory_space<semaphore_mem>>) src(%dma_wait3A_137 : memref<400xi32, #tpu.memory_space<hbm>>) dst(%dma_wait3A_135 : memref<400xi32, #tpu.memory_space<vmem>>)
    %dma_start3A_138 = arith.constant 2 : i32
    %dma_start3A_139 = arith.constant 0 : i32
    %dma_start3A_140 = tpu.memref_slice %arg6[%dma_start3A_138, %dma_start3A_139] : memref<8x400xi32, #tpu.memory_space<vmem>> -> memref<1x400xi32, #tpu.memory_space<vmem>>
    %dma_start3A_141 = tpu.memref_squeeze %dma_start3A_140 : memref<1x400xi32, #tpu.memory_space<vmem>> -> memref<400xi32, #tpu.memory_space<vmem>>
    %dma_start3A_142 = arith.constant 0 : i32
    %dma_start3A_143 = arith.constant 0 : i32
    %dma_start3A_144 = tpu.memref_slice %arg5[%dma_start3A_142, %dma_start3A_143] : memref<256x32xf32, #tpu.memory_space<vmem_shared>> -> memref<256x32xf32, #tpu.memory_space<vmem_shared>>
    tpu.enqueue_indirect_dma source(%dma_start3A_144 : memref<256x32xf32, #tpu.memory_space<vmem_shared>>) target(%arg9 : memref<400x32xf32, #tpu.memory_space<vmem>>) offsets(%dma_start3A_141 : memref<400xi32, #tpu.memory_space<vmem>>) semaphore(%arg17 : memref<!tpu.dma_semaphore, #tpu.memory_space<semaphore_mem>>)
    %dma_wait3A_145 = arith.constant 3 : i32
    %dma_wait3A_146 = arith.constant 0 : i32
    %dma_wait3A_147 = tpu.memref_slice %arg6[%dma_wait3A_145, %dma_wait3A_146] : memref<8x400xi32, #tpu.memory_space<vmem>> -> memref<1x400xi32, #tpu.memory_space<vmem>>
    %dma_wait3A_148 = tpu.memref_squeeze %dma_wait3A_147 : memref<1x400xi32, #tpu.memory_space<vmem>> -> memref<400xi32, #tpu.memory_space<vmem>>
    %dma_wait3A_149 = arith.constant 0 : i32
    %dma_wait3A_150 = tpu.memref_slice %arg3[%dma_wait3A_149] : memref<1638400xi32, #tpu.memory_space<hbm>> -> memref<400xi32, #tpu.memory_space<hbm>>
    %dma_wait3A_151 = arith.constant 0 : i32
    %dma_wait3A_152 = tpu.memref_slice %arg6[%dma_wait3A_145, %dma_wait3A_151] : memref<8x400xi32, #tpu.memory_space<vmem>> -> memref<1x400xi32, #tpu.memory_space<vmem>>
    %dma_wait3A_153 = tpu.memref_squeeze %dma_wait3A_152 : memref<1x400xi32, #tpu.memory_space<vmem>> -> memref<400xi32, #tpu.memory_space<vmem>>
    %dma_wait3A_154 = arith.constant 0 : i32
    %dma_wait3A_155 = tpu.memref_slice %arg3[%dma_wait3A_154] : memref<1638400xi32, #tpu.memory_space<hbm>> -> memref<400xi32, #tpu.memory_space<hbm>>
    tpu.wait_dma2 semaphore(%arg34 : memref<!tpu.dma_semaphore, #tpu.memory_space<semaphore_mem>>) src(%dma_wait3A_155 : memref<400xi32, #tpu.memory_space<hbm>>) dst(%dma_wait3A_153 : memref<400xi32, #tpu.memory_space<vmem>>)
    %dma_start3A_156 = arith.constant 3 : i32
    %dma_start3A_157 = arith.constant 0 : i32
    %dma_start3A_158 = tpu.memref_slice %arg6[%dma_start3A_156, %dma_start3A_157] : memref<8x400xi32, #tpu.memory_space<vmem>> -> memref<1x400xi32, #tpu.memory_space<vmem>>
    %dma_start3A_159 = tpu.memref_squeeze %dma_start3A_158 : memref<1x400xi32, #tpu.memory_space<vmem>> -> memref<400xi32, #tpu.memory_space<vmem>>
    %dma_start3A_160 = arith.constant 0 : i32
    %dma_start3A_161 = arith.constant 0 : i32
    %dma_start3A_162 = tpu.memref_slice %arg5[%dma_start3A_160, %dma_start3A_161] : memref<256x32xf32, #tpu.memory_space<vmem_shared>> -> memref<256x32xf32, #tpu.memory_space<vmem_shared>>
    tpu.enqueue_indirect_dma source(%dma_start3A_162 : memref<256x32xf32, #tpu.memory_space<vmem_shared>>) target(%arg10 : memref<400x32xf32, #tpu.memory_space<vmem>>) offsets(%dma_start3A_159 : memref<400xi32, #tpu.memory_space<vmem>>) semaphore(%arg18 : memref<!tpu.dma_semaphore, #tpu.memory_space<semaphore_mem>>)
    %scan3A = arith.constant 0 : i32
    %scan3A_163 = arith.constant 0 : i32
    %scan3A_164 = arith.constant 16 : i32
    %scan3A_165 = arith.addi %scan3A_163, %scan3A_164 : i32
    %scan3A_166 = arith.constant 1 : i32
    scf.for %scan3A_192 = %scan3A_163 to %scan3A_165 step %scan3A_166  : i32 {
      %mul3A_193 = arith.constant 8 : i32
      %mul3A_194 = arith.muli %mul3A_193, %scan3A_192 : i32
      %add3A_195 = arith.constant 0 : i32
      %add3A_196 = arith.addi %mul3A_194, %add3A_195 : i32
      %dma_wait3A_197 = arith.constant 0 : i32
      %dma_wait3A_198 = arith.constant 0 : i32
      %dma_wait3A_199 = tpu.memref_slice %arg6[%dma_wait3A_197, %dma_wait3A_198] : memref<8x400xi32, #tpu.memory_space<vmem>> -> memref<1x400xi32, #tpu.memory_space<vmem>>
      %dma_wait3A_200 = tpu.memref_squeeze %dma_wait3A_199 : memref<1x400xi32, #tpu.memory_space<vmem>> -> memref<400xi32, #tpu.memory_space<vmem>>
      %dma_wait3A_201 = arith.constant 0 : i32
      %dma_wait3A_202 = arith.constant 0 : i32
      %dma_wait3A_203 = tpu.memref_slice %arg5[%dma_wait3A_201, %dma_wait3A_202] : memref<256x32xf32, #tpu.memory_space<vmem_shared>> -> memref<256x32xf32, #tpu.memory_space<vmem_shared>>
      tpu.wait_indirect_dma semaphore(%arg15 : memref<!tpu.dma_semaphore, #tpu.memory_space<semaphore_mem>>) src(%dma_wait3A_203 : memref<256x32xf32, #tpu.memory_space<vmem_shared>>) dst(%arg7 : memref<400x32xf32, #tpu.memory_space<vmem>>)
      %mul3A_204 = arith.constant 400 : i32
      %mul3A_205 = arith.muli %add3A_196, %mul3A_204 : i32
      %add3A_206 = arith.addi %mul3A_2, %mul3A_205 : i32
      %dma_start3A_207 = arith.constant 0 : i32
      %dma_start3A_208 = tpu.memref_slice %arg4[%add3A_206, %dma_start3A_207] : memref<1638400x32xf32, #tpu.memory_space<hbm>> -> memref<400x32xf32, #tpu.memory_space<hbm>>
      %dma_start3A_209 = arith.constant 0 : i32
      %dma_start3A_210 = tpu.memref_slice %arg4[%add3A_206, %dma_start3A_209] : memref<1638400x32xf32, #tpu.memory_space<hbm>> -> memref<400x32xf32, #tpu.memory_space<hbm>>
      tpu.enqueue_dma source(%arg7 : memref<400x32xf32, #tpu.memory_space<vmem>>) target(%dma_start3A_210 : memref<400x32xf32, #tpu.memory_space<hbm>>) target_semaphore(%arg23 : memref<!tpu.dma_semaphore, #tpu.memory_space<semaphore_mem>>)
      %add3A_211 = arith.constant 8 : i32
      %add3A_212 = arith.addi %add3A_196, %add3A_211 : i32
      %lt3A = arith.constant 128 : i32
      %lt3A_213 = arith.cmpi slt, %add3A_212, %lt3A : i32
      %convert_element_type3A_214 = arith.extui %lt3A_213 : i1 to i32
      %cond3A_215 = arith.constant 0 : i32
      %cond3A_216 = arith.cmpi ne, %convert_element_type3A_214, %cond3A_215 : i32
      scf.if %cond3A_216 {
        %add3A_487 = arith.constant 8 : i32
        %add3A_488 = arith.addi %add3A_196, %add3A_487 : i32
        %mul3A_489 = arith.constant 400 : i32
        %mul3A_490 = arith.muli %add3A_488, %mul3A_489 : i32
        %add3A_491 = arith.addi %mul3A_2, %mul3A_490 : i32
        %dma_start3A_492 = arith.constant 0 : i32
        %dma_start3A_493 = arith.constant 0 : i32
        %dma_start3A_494 = tpu.memref_slice %arg6[%dma_start3A_492, %dma_start3A_493] : memref<8x400xi32, #tpu.memory_space<vmem>> -> memref<1x400xi32, #tpu.memory_space<vmem>>
        %dma_start3A_495 = tpu.memref_squeeze %dma_start3A_494 : memref<1x400xi32, #tpu.memory_space<vmem>> -> memref<400xi32, #tpu.memory_space<vmem>>
        %dma_start3A_496 = tpu.memref_slice %arg3[%add3A_491] : memref<1638400xi32, #tpu.memory_space<hbm>> -> memref<400xi32, #tpu.memory_space<hbm>>
        %dma_start3A_497 = arith.constant 0 : i32
        %dma_start3A_498 = tpu.memref_slice %arg6[%dma_start3A_492, %dma_start3A_497] : memref<8x400xi32, #tpu.memory_space<vmem>> -> memref<1x400xi32, #tpu.memory_space<vmem>>
        %dma_start3A_499 = tpu.memref_squeeze %dma_start3A_498 : memref<1x400xi32, #tpu.memory_space<vmem>> -> memref<400xi32, #tpu.memory_space<vmem>>
        %dma_start3A_500 = tpu.memref_slice %arg3[%add3A_491] : memref<1638400xi32, #tpu.memory_space<hbm>> -> memref<400xi32, #tpu.memory_space<hbm>>
        tpu.enqueue_dma source(%dma_start3A_500 : memref<400xi32, #tpu.memory_space<hbm>>) target(%dma_start3A_499 : memref<400xi32, #tpu.memory_space<vmem>>) target_semaphore(%arg31 : memref<!tpu.dma_semaphore, #tpu.memory_space<semaphore_mem>>)
      } else {
      }
      %ge3A = arith.constant 4 : i32
      %ge3A_217 = arith.cmpi sge, %add3A_196, %ge3A : i32
      %convert_element_type3A_218 = arith.extui %ge3A_217 : i1 to i32
      %cond3A_219 = arith.constant 0 : i32
      %cond3A_220 = arith.cmpi ne, %convert_element_type3A_218, %cond3A_219 : i32
      scf.if %cond3A_220 {
        %sub3A = arith.constant 4 : i32
        %sub3A_487 = arith.subi %add3A_196, %sub3A : i32
        %mul3A_488 = arith.constant 400 : i32
        %mul3A_489 = arith.muli %sub3A_487, %mul3A_488 : i32
        %add3A_490 = arith.addi %mul3A_2, %mul3A_489 : i32
        %dma_wait3A_491 = arith.constant 0 : i32
        %dma_wait3A_492 = tpu.memref_slice %arg4[%add3A_490, %dma_wait3A_491] : memref<1638400x32xf32, #tpu.memory_space<hbm>> -> memref<400x32xf32, #tpu.memory_space<hbm>>
        %dma_wait3A_493 = arith.constant 0 : i32
        %dma_wait3A_494 = tpu.memref_slice %arg4[%add3A_490, %dma_wait3A_493] : memref<1638400x32xf32, #tpu.memory_space<hbm>> -> memref<400x32xf32, #tpu.memory_space<hbm>>
        tpu.wait_dma2 semaphore(%arg27 : memref<!tpu.dma_semaphore, #tpu.memory_space<semaphore_mem>>) src(%arg11 : memref<400x32xf32, #tpu.memory_space<vmem>>) dst(%dma_wait3A_494 : memref<400x32xf32, #tpu.memory_space<hbm>>)
      } else {
      }
      %add3A_221 = arith.constant 4 : i32
      %add3A_222 = arith.addi %add3A_196, %add3A_221 : i32
      %lt3A_223 = arith.constant 128 : i32
      %lt3A_224 = arith.cmpi slt, %add3A_222, %lt3A_223 : i32
      %convert_element_type3A_225 = arith.extui %lt3A_224 : i1 to i32
      %cond3A_226 = arith.constant 0 : i32
      %cond3A_227 = arith.cmpi ne, %convert_element_type3A_225, %cond3A_226 : i32
      scf.if %cond3A_227 {
        %dma_wait3A_487 = arith.constant 4 : i32
        %dma_wait3A_488 = arith.constant 0 : i32
        %dma_wait3A_489 = tpu.memref_slice %arg6[%dma_wait3A_487, %dma_wait3A_488] : memref<8x400xi32, #tpu.memory_space<vmem>> -> memref<1x400xi32, #tpu.memory_space<vmem>>
        %dma_wait3A_490 = tpu.memref_squeeze %dma_wait3A_489 : memref<1x400xi32, #tpu.memory_space<vmem>> -> memref<400xi32, #tpu.memory_space<vmem>>
        %dma_wait3A_491 = arith.constant 0 : i32
        %dma_wait3A_492 = tpu.memref_slice %arg3[%dma_wait3A_491] : memref<1638400xi32, #tpu.memory_space<hbm>> -> memref<400xi32, #tpu.memory_space<hbm>>
        %dma_wait3A_493 = arith.constant 0 : i32
        %dma_wait3A_494 = tpu.memref_slice %arg6[%dma_wait3A_487, %dma_wait3A_493] : memref<8x400xi32, #tpu.memory_space<vmem>> -> memref<1x400xi32, #tpu.memory_space<vmem>>
        %dma_wait3A_495 = tpu.memref_squeeze %dma_wait3A_494 : memref<1x400xi32, #tpu.memory_space<vmem>> -> memref<400xi32, #tpu.memory_space<vmem>>
        %dma_wait3A_496 = arith.constant 0 : i32
        %dma_wait3A_497 = tpu.memref_slice %arg3[%dma_wait3A_496] : memref<1638400xi32, #tpu.memory_space<hbm>> -> memref<400xi32, #tpu.memory_space<hbm>>
        tpu.wait_dma2 semaphore(%arg35 : memref<!tpu.dma_semaphore, #tpu.memory_space<semaphore_mem>>) src(%dma_wait3A_497 : memref<400xi32, #tpu.memory_space<hbm>>) dst(%dma_wait3A_495 : memref<400xi32, #tpu.memory_space<vmem>>)
        %dma_start3A_498 = arith.constant 4 : i32
        %dma_start3A_499 = arith.constant 0 : i32
        %dma_start3A_500 = tpu.memref_slice %arg6[%dma_start3A_498, %dma_start3A_499] : memref<8x400xi32, #tpu.memory_space<vmem>> -> memref<1x400xi32, #tpu.memory_space<vmem>>
        %dma_start3A_501 = tpu.memref_squeeze %dma_start3A_500 : memref<1x400xi32, #tpu.memory_space<vmem>> -> memref<400xi32, #tpu.memory_space<vmem>>
        %dma_start3A_502 = arith.constant 0 : i32
        %dma_start3A_503 = arith.constant 0 : i32
        %dma_start3A_504 = tpu.memref_slice %arg5[%dma_start3A_502, %dma_start3A_503] : memref<256x32xf32, #tpu.memory_space<vmem_shared>> -> memref<256x32xf32, #tpu.memory_space<vmem_shared>>
        tpu.enqueue_indirect_dma source(%dma_start3A_504 : memref<256x32xf32, #tpu.memory_space<vmem_shared>>) target(%arg11 : memref<400x32xf32, #tpu.memory_space<vmem>>) offsets(%dma_start3A_501 : memref<400xi32, #tpu.memory_space<vmem>>) semaphore(%arg19 : memref<!tpu.dma_semaphore, #tpu.memory_space<semaphore_mem>>)
      } else {
      }
      %mul3A_228 = arith.constant 8 : i32
      %mul3A_229 = arith.muli %mul3A_228, %scan3A_192 : i32
      %add3A_230 = arith.constant 1 : i32
      %add3A_231 = arith.addi %mul3A_229, %add3A_230 : i32
      %dma_wait3A_232 = arith.constant 1 : i32
      %dma_wait3A_233 = arith.constant 0 : i32
      %dma_wait3A_234 = tpu.memref_slice %arg6[%dma_wait3A_232, %dma_wait3A_233] : memref<8x400xi32, #tpu.memory_space<vmem>> -> memref<1x400xi32, #tpu.memory_space<vmem>>
      %dma_wait3A_235 = tpu.memref_squeeze %dma_wait3A_234 : memref<1x400xi32, #tpu.memory_space<vmem>> -> memref<400xi32, #tpu.memory_space<vmem>>
      %dma_wait3A_236 = arith.constant 0 : i32
      %dma_wait3A_237 = arith.constant 0 : i32
      %dma_wait3A_238 = tpu.memref_slice %arg5[%dma_wait3A_236, %dma_wait3A_237] : memref<256x32xf32, #tpu.memory_space<vmem_shared>> -> memref<256x32xf32, #tpu.memory_space<vmem_shared>>
      tpu.wait_indirect_dma semaphore(%arg16 : memref<!tpu.dma_semaphore, #tpu.memory_space<semaphore_mem>>) src(%dma_wait3A_238 : memref<256x32xf32, #tpu.memory_space<vmem_shared>>) dst(%arg8 : memref<400x32xf32, #tpu.memory_space<vmem>>)
      %mul3A_239 = arith.constant 400 : i32
      %mul3A_240 = arith.muli %add3A_231, %mul3A_239 : i32
      %add3A_241 = arith.addi %mul3A_2, %mul3A_240 : i32
      %dma_start3A_242 = arith.constant 0 : i32
      %dma_start3A_243 = tpu.memref_slice %arg4[%add3A_241, %dma_start3A_242] : memref<1638400x32xf32, #tpu.memory_space<hbm>> -> memref<400x32xf32, #tpu.memory_space<hbm>>
      %dma_start3A_244 = arith.constant 0 : i32
      %dma_start3A_245 = tpu.memref_slice %arg4[%add3A_241, %dma_start3A_244] : memref<1638400x32xf32, #tpu.memory_space<hbm>> -> memref<400x32xf32, #tpu.memory_space<hbm>>
      tpu.enqueue_dma source(%arg8 : memref<400x32xf32, #tpu.memory_space<vmem>>) target(%dma_start3A_245 : memref<400x32xf32, #tpu.memory_space<hbm>>) target_semaphore(%arg24 : memref<!tpu.dma_semaphore, #tpu.memory_space<semaphore_mem>>)
      %add3A_246 = arith.constant 8 : i32
      %add3A_247 = arith.addi %add3A_231, %add3A_246 : i32
      %lt3A_248 = arith.constant 128 : i32
      %lt3A_249 = arith.cmpi slt, %add3A_247, %lt3A_248 : i32
      %convert_element_type3A_250 = arith.extui %lt3A_249 : i1 to i32
      %cond3A_251 = arith.constant 0 : i32
      %cond3A_252 = arith.cmpi ne, %convert_element_type3A_250, %cond3A_251 : i32
      scf.if %cond3A_252 {
        %add3A_487 = arith.constant 8 : i32
        %add3A_488 = arith.addi %add3A_231, %add3A_487 : i32
        %mul3A_489 = arith.constant 400 : i32
        %mul3A_490 = arith.muli %add3A_488, %mul3A_489 : i32
        %add3A_491 = arith.addi %mul3A_2, %mul3A_490 : i32
        %dma_start3A_492 = arith.constant 1 : i32
        %dma_start3A_493 = arith.constant 0 : i32
        %dma_start3A_494 = tpu.memref_slice %arg6[%dma_start3A_492, %dma_start3A_493] : memref<8x400xi32, #tpu.memory_space<vmem>> -> memref<1x400xi32, #tpu.memory_space<vmem>>
        %dma_start3A_495 = tpu.memref_squeeze %dma_start3A_494 : memref<1x400xi32, #tpu.memory_space<vmem>> -> memref<400xi32, #tpu.memory_space<vmem>>
        %dma_start3A_496 = tpu.memref_slice %arg3[%add3A_491] : memref<1638400xi32, #tpu.memory_space<hbm>> -> memref<400xi32, #tpu.memory_space<hbm>>
        %dma_start3A_497 = arith.constant 0 : i32
        %dma_start3A_498 = tpu.memref_slice %arg6[%dma_start3A_492, %dma_start3A_497] : memref<8x400xi32, #tpu.memory_space<vmem>> -> memref<1x400xi32, #tpu.memory_space<vmem>>
        %dma_start3A_499 = tpu.memref_squeeze %dma_start3A_498 : memref<1x400xi32, #tpu.memory_space<vmem>> -> memref<400xi32, #tpu.memory_space<vmem>>
        %dma_start3A_500 = tpu.memref_slice %arg3[%add3A_491] : memref<1638400xi32, #tpu.memory_space<hbm>> -> memref<400xi32, #tpu.memory_space<hbm>>
        tpu.enqueue_dma source(%dma_start3A_500 : memref<400xi32, #tpu.memory_space<hbm>>) target(%dma_start3A_499 : memref<400xi32, #tpu.memory_space<vmem>>) target_semaphore(%arg32 : memref<!tpu.dma_semaphore, #tpu.memory_space<semaphore_mem>>)
      } else {
      }
      %ge3A_253 = arith.constant 4 : i32
      %ge3A_254 = arith.cmpi sge, %add3A_231, %ge3A_253 : i32
      %convert_element_type3A_255 = arith.extui %ge3A_254 : i1 to i32
      %cond3A_256 = arith.constant 0 : i32
      %cond3A_257 = arith.cmpi ne, %convert_element_type3A_255, %cond3A_256 : i32
      scf.if %cond3A_257 {
        %sub3A = arith.constant 4 : i32
        %sub3A_487 = arith.subi %add3A_231, %sub3A : i32
        %mul3A_488 = arith.constant 400 : i32
        %mul3A_489 = arith.muli %sub3A_487, %mul3A_488 : i32
        %add3A_490 = arith.addi %mul3A_2, %mul3A_489 : i32
        %dma_wait3A_491 = arith.constant 0 : i32
        %dma_wait3A_492 = tpu.memref_slice %arg4[%add3A_490, %dma_wait3A_491] : memref<1638400x32xf32, #tpu.memory_space<hbm>> -> memref<400x32xf32, #tpu.memory_space<hbm>>
        %dma_wait3A_493 = arith.constant 0 : i32
        %dma_wait3A_494 = tpu.memref_slice %arg4[%add3A_490, %dma_wait3A_493] : memref<1638400x32xf32, #tpu.memory_space<hbm>> -> memref<400x32xf32, #tpu.memory_space<hbm>>
        tpu.wait_dma2 semaphore(%arg28 : memref<!tpu.dma_semaphore, #tpu.memory_space<semaphore_mem>>) src(%arg12 : memref<400x32xf32, #tpu.memory_space<vmem>>) dst(%dma_wait3A_494 : memref<400x32xf32, #tpu.memory_space<hbm>>)
      } else {
      }
      %add3A_258 = arith.constant 4 : i32
      %add3A_259 = arith.addi %add3A_231, %add3A_258 : i32
      %lt3A_260 = arith.constant 128 : i32
      %lt3A_261 = arith.cmpi slt, %add3A_259, %lt3A_260 : i32
      %convert_element_type3A_262 = arith.extui %lt3A_261 : i1 to i32
      %cond3A_263 = arith.constant 0 : i32
      %cond3A_264 = arith.cmpi ne, %convert_element_type3A_262, %cond3A_263 : i32
      scf.if %cond3A_264 {
        %dma_wait3A_487 = arith.constant 5 : i32
        %dma_wait3A_488 = arith.constant 0 : i32
        %dma_wait3A_489 = tpu.memref_slice %arg6[%dma_wait3A_487, %dma_wait3A_488] : memref<8x400xi32, #tpu.memory_space<vmem>> -> memref<1x400xi32, #tpu.memory_space<vmem>>
        %dma_wait3A_490 = tpu.memref_squeeze %dma_wait3A_489 : memref<1x400xi32, #tpu.memory_space<vmem>> -> memref<400xi32, #tpu.memory_space<vmem>>
        %dma_wait3A_491 = arith.constant 0 : i32
        %dma_wait3A_492 = tpu.memref_slice %arg3[%dma_wait3A_491] : memref<1638400xi32, #tpu.memory_space<hbm>> -> memref<400xi32, #tpu.memory_space<hbm>>
        %dma_wait3A_493 = arith.constant 0 : i32
        %dma_wait3A_494 = tpu.memref_slice %arg6[%dma_wait3A_487, %dma_wait3A_493] : memref<8x400xi32, #tpu.memory_space<vmem>> -> memref<1x400xi32, #tpu.memory_space<vmem>>
        %dma_wait3A_495 = tpu.memref_squeeze %dma_wait3A_494 : memref<1x400xi32, #tpu.memory_space<vmem>> -> memref<400xi32, #tpu.memory_space<vmem>>
        %dma_wait3A_496 = arith.constant 0 : i32
        %dma_wait3A_497 = tpu.memref_slice %arg3[%dma_wait3A_496] : memref<1638400xi32, #tpu.memory_space<hbm>> -> memref<400xi32, #tpu.memory_space<hbm>>
        tpu.wait_dma2 semaphore(%arg36 : memref<!tpu.dma_semaphore, #tpu.memory_space<semaphore_mem>>) src(%dma_wait3A_497 : memref<400xi32, #tpu.memory_space<hbm>>) dst(%dma_wait3A_495 : memref<400xi32, #tpu.memory_space<vmem>>)
        %dma_start3A_498 = arith.constant 5 : i32
        %dma_start3A_499 = arith.constant 0 : i32
        %dma_start3A_500 = tpu.memref_slice %arg6[%dma_start3A_498, %dma_start3A_499] : memref<8x400xi32, #tpu.memory_space<vmem>> -> memref<1x400xi32, #tpu.memory_space<vmem>>
        %dma_start3A_501 = tpu.memref_squeeze %dma_start3A_500 : memref<1x400xi32, #tpu.memory_space<vmem>> -> memref<400xi32, #tpu.memory_space<vmem>>
        %dma_start3A_502 = arith.constant 0 : i32
        %dma_start3A_503 = arith.constant 0 : i32
        %dma_start3A_504 = tpu.memref_slice %arg5[%dma_start3A_502, %dma_start3A_503] : memref<256x32xf32, #tpu.memory_space<vmem_shared>> -> memref<256x32xf32, #tpu.memory_space<vmem_shared>>
        tpu.enqueue_indirect_dma source(%dma_start3A_504 : memref<256x32xf32, #tpu.memory_space<vmem_shared>>) target(%arg12 : memref<400x32xf32, #tpu.memory_space<vmem>>) offsets(%dma_start3A_501 : memref<400xi32, #tpu.memory_space<vmem>>) semaphore(%arg20 : memref<!tpu.dma_semaphore, #tpu.memory_space<semaphore_mem>>)
      } else {
      }
      %mul3A_265 = arith.constant 8 : i32
      %mul3A_266 = arith.muli %mul3A_265, %scan3A_192 : i32
      %add3A_267 = arith.constant 2 : i32
      %add3A_268 = arith.addi %mul3A_266, %add3A_267 : i32
      %dma_wait3A_269 = arith.constant 2 : i32
      %dma_wait3A_270 = arith.constant 0 : i32
      %dma_wait3A_271 = tpu.memref_slice %arg6[%dma_wait3A_269, %dma_wait3A_270] : memref<8x400xi32, #tpu.memory_space<vmem>> -> memref<1x400xi32, #tpu.memory_space<vmem>>
      %dma_wait3A_272 = tpu.memref_squeeze %dma_wait3A_271 : memref<1x400xi32, #tpu.memory_space<vmem>> -> memref<400xi32, #tpu.memory_space<vmem>>
      %dma_wait3A_273 = arith.constant 0 : i32
      %dma_wait3A_274 = arith.constant 0 : i32
      %dma_wait3A_275 = tpu.memref_slice %arg5[%dma_wait3A_273, %dma_wait3A_274] : memref<256x32xf32, #tpu.memory_space<vmem_shared>> -> memref<256x32xf32, #tpu.memory_space<vmem_shared>>
      tpu.wait_indirect_dma semaphore(%arg17 : memref<!tpu.dma_semaphore, #tpu.memory_space<semaphore_mem>>) src(%dma_wait3A_275 : memref<256x32xf32, #tpu.memory_space<vmem_shared>>) dst(%arg9 : memref<400x32xf32, #tpu.memory_space<vmem>>)
      %mul3A_276 = arith.constant 400 : i32
      %mul3A_277 = arith.muli %add3A_268, %mul3A_276 : i32
      %add3A_278 = arith.addi %mul3A_2, %mul3A_277 : i32
      %dma_start3A_279 = arith.constant 0 : i32
      %dma_start3A_280 = tpu.memref_slice %arg4[%add3A_278, %dma_start3A_279] : memref<1638400x32xf32, #tpu.memory_space<hbm>> -> memref<400x32xf32, #tpu.memory_space<hbm>>
      %dma_start3A_281 = arith.constant 0 : i32
      %dma_start3A_282 = tpu.memref_slice %arg4[%add3A_278, %dma_start3A_281] : memref<1638400x32xf32, #tpu.memory_space<hbm>> -> memref<400x32xf32, #tpu.memory_space<hbm>>
      tpu.enqueue_dma source(%arg9 : memref<400x32xf32, #tpu.memory_space<vmem>>) target(%dma_start3A_282 : memref<400x32xf32, #tpu.memory_space<hbm>>) target_semaphore(%arg25 : memref<!tpu.dma_semaphore, #tpu.memory_space<semaphore_mem>>)
      %add3A_283 = arith.constant 8 : i32
      %add3A_284 = arith.addi %add3A_268, %add3A_283 : i32
      %lt3A_285 = arith.constant 128 : i32
      %lt3A_286 = arith.cmpi slt, %add3A_284, %lt3A_285 : i32
      %convert_element_type3A_287 = arith.extui %lt3A_286 : i1 to i32
      %cond3A_288 = arith.constant 0 : i32
      %cond3A_289 = arith.cmpi ne, %convert_element_type3A_287, %cond3A_288 : i32
      scf.if %cond3A_289 {
        %add3A_487 = arith.constant 8 : i32
        %add3A_488 = arith.addi %add3A_268, %add3A_487 : i32
        %mul3A_489 = arith.constant 400 : i32
        %mul3A_490 = arith.muli %add3A_488, %mul3A_489 : i32
        %add3A_491 = arith.addi %mul3A_2, %mul3A_490 : i32
        %dma_start3A_492 = arith.constant 2 : i32
        %dma_start3A_493 = arith.constant 0 : i32
        %dma_start3A_494 = tpu.memref_slice %arg6[%dma_start3A_492, %dma_start3A_493] : memref<8x400xi32, #tpu.memory_space<vmem>> -> memref<1x400xi32, #tpu.memory_space<vmem>>
        %dma_start3A_495 = tpu.memref_squeeze %dma_start3A_494 : memref<1x400xi32, #tpu.memory_space<vmem>> -> memref<400xi32, #tpu.memory_space<vmem>>
        %dma_start3A_496 = tpu.memref_slice %arg3[%add3A_491] : memref<1638400xi32, #tpu.memory_space<hbm>> -> memref<400xi32, #tpu.memory_space<hbm>>
        %dma_start3A_497 = arith.constant 0 : i32
        %dma_start3A_498 = tpu.memref_slice %arg6[%dma_start3A_492, %dma_start3A_497] : memref<8x400xi32, #tpu.memory_space<vmem>> -> memref<1x400xi32, #tpu.memory_space<vmem>>
        %dma_start3A_499 = tpu.memref_squeeze %dma_start3A_498 : memref<1x400xi32, #tpu.memory_space<vmem>> -> memref<400xi32, #tpu.memory_space<vmem>>
        %dma_start3A_500 = tpu.memref_slice %arg3[%add3A_491] : memref<1638400xi32, #tpu.memory_space<hbm>> -> memref<400xi32, #tpu.memory_space<hbm>>
        tpu.enqueue_dma source(%dma_start3A_500 : memref<400xi32, #tpu.memory_space<hbm>>) target(%dma_start3A_499 : memref<400xi32, #tpu.memory_space<vmem>>) target_semaphore(%arg33 : memref<!tpu.dma_semaphore, #tpu.memory_space<semaphore_mem>>)
      } else {
      }
      %ge3A_290 = arith.constant 4 : i32
      %ge3A_291 = arith.cmpi sge, %add3A_268, %ge3A_290 : i32
      %convert_element_type3A_292 = arith.extui %ge3A_291 : i1 to i32
      %cond3A_293 = arith.constant 0 : i32
      %cond3A_294 = arith.cmpi ne, %convert_element_type3A_292, %cond3A_293 : i32
      scf.if %cond3A_294 {
        %sub3A = arith.constant 4 : i32
        %sub3A_487 = arith.subi %add3A_268, %sub3A : i32
        %mul3A_488 = arith.constant 400 : i32
        %mul3A_489 = arith.muli %sub3A_487, %mul3A_488 : i32
        %add3A_490 = arith.addi %mul3A_2, %mul3A_489 : i32
        %dma_wait3A_491 = arith.constant 0 : i32
        %dma_wait3A_492 = tpu.memref_slice %arg4[%add3A_490, %dma_wait3A_491] : memref<1638400x32xf32, #tpu.memory_space<hbm>> -> memref<400x32xf32, #tpu.memory_space<hbm>>
        %dma_wait3A_493 = arith.constant 0 : i32
        %dma_wait3A_494 = tpu.memref_slice %arg4[%add3A_490, %dma_wait3A_493] : memref<1638400x32xf32, #tpu.memory_space<hbm>> -> memref<400x32xf32, #tpu.memory_space<hbm>>
        tpu.wait_dma2 semaphore(%arg29 : memref<!tpu.dma_semaphore, #tpu.memory_space<semaphore_mem>>) src(%arg13 : memref<400x32xf32, #tpu.memory_space<vmem>>) dst(%dma_wait3A_494 : memref<400x32xf32, #tpu.memory_space<hbm>>)
      } else {
      }
      %add3A_295 = arith.constant 4 : i32
      %add3A_296 = arith.addi %add3A_268, %add3A_295 : i32
      %lt3A_297 = arith.constant 128 : i32
      %lt3A_298 = arith.cmpi slt, %add3A_296, %lt3A_297 : i32
      %convert_element_type3A_299 = arith.extui %lt3A_298 : i1 to i32
      %cond3A_300 = arith.constant 0 : i32
      %cond3A_301 = arith.cmpi ne, %convert_element_type3A_299, %cond3A_300 : i32
      scf.if %cond3A_301 {
        %dma_wait3A_487 = arith.constant 6 : i32
        %dma_wait3A_488 = arith.constant 0 : i32
        %dma_wait3A_489 = tpu.memref_slice %arg6[%dma_wait3A_487, %dma_wait3A_488] : memref<8x400xi32, #tpu.memory_space<vmem>> -> memref<1x400xi32, #tpu.memory_space<vmem>>
        %dma_wait3A_490 = tpu.memref_squeeze %dma_wait3A_489 : memref<1x400xi32, #tpu.memory_space<vmem>> -> memref<400xi32, #tpu.memory_space<vmem>>
        %dma_wait3A_491 = arith.constant 0 : i32
        %dma_wait3A_492 = tpu.memref_slice %arg3[%dma_wait3A_491] : memref<1638400xi32, #tpu.memory_space<hbm>> -> memref<400xi32, #tpu.memory_space<hbm>>
        %dma_wait3A_493 = arith.constant 0 : i32
        %dma_wait3A_494 = tpu.memref_slice %arg6[%dma_wait3A_487, %dma_wait3A_493] : memref<8x400xi32, #tpu.memory_space<vmem>> -> memref<1x400xi32, #tpu.memory_space<vmem>>
        %dma_wait3A_495 = tpu.memref_squeeze %dma_wait3A_494 : memref<1x400xi32, #tpu.memory_space<vmem>> -> memref<400xi32, #tpu.memory_space<vmem>>
        %dma_wait3A_496 = arith.constant 0 : i32
        %dma_wait3A_497 = tpu.memref_slice %arg3[%dma_wait3A_496] : memref<1638400xi32, #tpu.memory_space<hbm>> -> memref<400xi32, #tpu.memory_space<hbm>>
        tpu.wait_dma2 semaphore(%arg37 : memref<!tpu.dma_semaphore, #tpu.memory_space<semaphore_mem>>) src(%dma_wait3A_497 : memref<400xi32, #tpu.memory_space<hbm>>) dst(%dma_wait3A_495 : memref<400xi32, #tpu.memory_space<vmem>>)
        %dma_start3A_498 = arith.constant 6 : i32
        %dma_start3A_499 = arith.constant 0 : i32
        %dma_start3A_500 = tpu.memref_slice %arg6[%dma_start3A_498, %dma_start3A_499] : memref<8x400xi32, #tpu.memory_space<vmem>> -> memref<1x400xi32, #tpu.memory_space<vmem>>
        %dma_start3A_501 = tpu.memref_squeeze %dma_start3A_500 : memref<1x400xi32, #tpu.memory_space<vmem>> -> memref<400xi32, #tpu.memory_space<vmem>>
        %dma_start3A_502 = arith.constant 0 : i32
        %dma_start3A_503 = arith.constant 0 : i32
        %dma_start3A_504 = tpu.memref_slice %arg5[%dma_start3A_502, %dma_start3A_503] : memref<256x32xf32, #tpu.memory_space<vmem_shared>> -> memref<256x32xf32, #tpu.memory_space<vmem_shared>>
        tpu.enqueue_indirect_dma source(%dma_start3A_504 : memref<256x32xf32, #tpu.memory_space<vmem_shared>>) target(%arg13 : memref<400x32xf32, #tpu.memory_space<vmem>>) offsets(%dma_start3A_501 : memref<400xi32, #tpu.memory_space<vmem>>) semaphore(%arg21 : memref<!tpu.dma_semaphore, #tpu.memory_space<semaphore_mem>>)
      } else {
      }
      %mul3A_302 = arith.constant 8 : i32
      %mul3A_303 = arith.muli %mul3A_302, %scan3A_192 : i32
      %add3A_304 = arith.constant 3 : i32
      %add3A_305 = arith.addi %mul3A_303, %add3A_304 : i32
      %dma_wait3A_306 = arith.constant 3 : i32
      %dma_wait3A_307 = arith.constant 0 : i32
      %dma_wait3A_308 = tpu.memref_slice %arg6[%dma_wait3A_306, %dma_wait3A_307] : memref<8x400xi32, #tpu.memory_space<vmem>> -> memref<1x400xi32, #tpu.memory_space<vmem>>
      %dma_wait3A_309 = tpu.memref_squeeze %dma_wait3A_308 : memref<1x400xi32, #tpu.memory_space<vmem>> -> memref<400xi32, #tpu.memory_space<vmem>>
      %dma_wait3A_310 = arith.constant 0 : i32
      %dma_wait3A_311 = arith.constant 0 : i32
      %dma_wait3A_312 = tpu.memref_slice %arg5[%dma_wait3A_310, %dma_wait3A_311] : memref<256x32xf32, #tpu.memory_space<vmem_shared>> -> memref<256x32xf32, #tpu.memory_space<vmem_shared>>
      tpu.wait_indirect_dma semaphore(%arg18 : memref<!tpu.dma_semaphore, #tpu.memory_space<semaphore_mem>>) src(%dma_wait3A_312 : memref<256x32xf32, #tpu.memory_space<vmem_shared>>) dst(%arg10 : memref<400x32xf32, #tpu.memory_space<vmem>>)
      %mul3A_313 = arith.constant 400 : i32
      %mul3A_314 = arith.muli %add3A_305, %mul3A_313 : i32
      %add3A_315 = arith.addi %mul3A_2, %mul3A_314 : i32
      %dma_start3A_316 = arith.constant 0 : i32
      %dma_start3A_317 = tpu.memref_slice %arg4[%add3A_315, %dma_start3A_316] : memref<1638400x32xf32, #tpu.memory_space<hbm>> -> memref<400x32xf32, #tpu.memory_space<hbm>>
      %dma_start3A_318 = arith.constant 0 : i32
      %dma_start3A_319 = tpu.memref_slice %arg4[%add3A_315, %dma_start3A_318] : memref<1638400x32xf32, #tpu.memory_space<hbm>> -> memref<400x32xf32, #tpu.memory_space<hbm>>
      tpu.enqueue_dma source(%arg10 : memref<400x32xf32, #tpu.memory_space<vmem>>) target(%dma_start3A_319 : memref<400x32xf32, #tpu.memory_space<hbm>>) target_semaphore(%arg26 : memref<!tpu.dma_semaphore, #tpu.memory_space<semaphore_mem>>)
      %add3A_320 = arith.constant 8 : i32
      %add3A_321 = arith.addi %add3A_305, %add3A_320 : i32
      %lt3A_322 = arith.constant 128 : i32
      %lt3A_323 = arith.cmpi slt, %add3A_321, %lt3A_322 : i32
      %convert_element_type3A_324 = arith.extui %lt3A_323 : i1 to i32
      %cond3A_325 = arith.constant 0 : i32
      %cond3A_326 = arith.cmpi ne, %convert_element_type3A_324, %cond3A_325 : i32
      scf.if %cond3A_326 {
        %add3A_487 = arith.constant 8 : i32
        %add3A_488 = arith.addi %add3A_305, %add3A_487 : i32
        %mul3A_489 = arith.constant 400 : i32
        %mul3A_490 = arith.muli %add3A_488, %mul3A_489 : i32
        %add3A_491 = arith.addi %mul3A_2, %mul3A_490 : i32
        %dma_start3A_492 = arith.constant 3 : i32
        %dma_start3A_493 = arith.constant 0 : i32
        %dma_start3A_494 = tpu.memref_slice %arg6[%dma_start3A_492, %dma_start3A_493] : memref<8x400xi32, #tpu.memory_space<vmem>> -> memref<1x400xi32, #tpu.memory_space<vmem>>
        %dma_start3A_495 = tpu.memref_squeeze %dma_start3A_494 : memref<1x400xi32, #tpu.memory_space<vmem>> -> memref<400xi32, #tpu.memory_space<vmem>>
        %dma_start3A_496 = tpu.memref_slice %arg3[%add3A_491] : memref<1638400xi32, #tpu.memory_space<hbm>> -> memref<400xi32, #tpu.memory_space<hbm>>
        %dma_start3A_497 = arith.constant 0 : i32
        %dma_start3A_498 = tpu.memref_slice %arg6[%dma_start3A_492, %dma_start3A_497] : memref<8x400xi32, #tpu.memory_space<vmem>> -> memref<1x400xi32, #tpu.memory_space<vmem>>
        %dma_start3A_499 = tpu.memref_squeeze %dma_start3A_498 : memref<1x400xi32, #tpu.memory_space<vmem>> -> memref<400xi32, #tpu.memory_space<vmem>>
        %dma_start3A_500 = tpu.memref_slice %arg3[%add3A_491] : memref<1638400xi32, #tpu.memory_space<hbm>> -> memref<400xi32, #tpu.memory_space<hbm>>
        tpu.enqueue_dma source(%dma_start3A_500 : memref<400xi32, #tpu.memory_space<hbm>>) target(%dma_start3A_499 : memref<400xi32, #tpu.memory_space<vmem>>) target_semaphore(%arg34 : memref<!tpu.dma_semaphore, #tpu.memory_space<semaphore_mem>>)
      } else {
      }
      %ge3A_327 = arith.constant 4 : i32
      %ge3A_328 = arith.cmpi sge, %add3A_305, %ge3A_327 : i32
      %convert_element_type3A_329 = arith.extui %ge3A_328 : i1 to i32
      %cond3A_330 = arith.constant 0 : i32
      %cond3A_331 = arith.cmpi ne, %convert_element_type3A_329, %cond3A_330 : i32
      scf.if %cond3A_331 {
        %sub3A = arith.constant 4 : i32
        %sub3A_487 = arith.subi %add3A_305, %sub3A : i32
        %mul3A_488 = arith.constant 400 : i32
        %mul3A_489 = arith.muli %sub3A_487, %mul3A_488 : i32
        %add3A_490 = arith.addi %mul3A_2, %mul3A_489 : i32
        %dma_wait3A_491 = arith.constant 0 : i32
        %dma_wait3A_492 = tpu.memref_slice %arg4[%add3A_490, %dma_wait3A_491] : memref<1638400x32xf32, #tpu.memory_space<hbm>> -> memref<400x32xf32, #tpu.memory_space<hbm>>
        %dma_wait3A_493 = arith.constant 0 : i32
        %dma_wait3A_494 = tpu.memref_slice %arg4[%add3A_490, %dma_wait3A_493] : memref<1638400x32xf32, #tpu.memory_space<hbm>> -> memref<400x32xf32, #tpu.memory_space<hbm>>
        tpu.wait_dma2 semaphore(%arg30 : memref<!tpu.dma_semaphore, #tpu.memory_space<semaphore_mem>>) src(%arg14 : memref<400x32xf32, #tpu.memory_space<vmem>>) dst(%dma_wait3A_494 : memref<400x32xf32, #tpu.memory_space<hbm>>)
      } else {
      }
      %add3A_332 = arith.constant 4 : i32
      %add3A_333 = arith.addi %add3A_305, %add3A_332 : i32
      %lt3A_334 = arith.constant 128 : i32
      %lt3A_335 = arith.cmpi slt, %add3A_333, %lt3A_334 : i32
      %convert_element_type3A_336 = arith.extui %lt3A_335 : i1 to i32
      %cond3A_337 = arith.constant 0 : i32
      %cond3A_338 = arith.cmpi ne, %convert_element_type3A_336, %cond3A_337 : i32
      scf.if %cond3A_338 {
        %dma_wait3A_487 = arith.constant 7 : i32
        %dma_wait3A_488 = arith.constant 0 : i32
        %dma_wait3A_489 = tpu.memref_slice %arg6[%dma_wait3A_487, %dma_wait3A_488] : memref<8x400xi32, #tpu.memory_space<vmem>> -> memref<1x400xi32, #tpu.memory_space<vmem>>
        %dma_wait3A_490 = tpu.memref_squeeze %dma_wait3A_489 : memref<1x400xi32, #tpu.memory_space<vmem>> -> memref<400xi32, #tpu.memory_space<vmem>>
        %dma_wait3A_491 = arith.constant 0 : i32
        %dma_wait3A_492 = tpu.memref_slice %arg3[%dma_wait3A_491] : memref<1638400xi32, #tpu.memory_space<hbm>> -> memref<400xi32, #tpu.memory_space<hbm>>
        %dma_wait3A_493 = arith.constant 0 : i32
        %dma_wait3A_494 = tpu.memref_slice %arg6[%dma_wait3A_487, %dma_wait3A_493] : memref<8x400xi32, #tpu.memory_space<vmem>> -> memref<1x400xi32, #tpu.memory_space<vmem>>
        %dma_wait3A_495 = tpu.memref_squeeze %dma_wait3A_494 : memref<1x400xi32, #tpu.memory_space<vmem>> -> memref<400xi32, #tpu.memory_space<vmem>>
        %dma_wait3A_496 = arith.constant 0 : i32
        %dma_wait3A_497 = tpu.memref_slice %arg3[%dma_wait3A_496] : memref<1638400xi32, #tpu.memory_space<hbm>> -> memref<400xi32, #tpu.memory_space<hbm>>
        tpu.wait_dma2 semaphore(%arg38 : memref<!tpu.dma_semaphore, #tpu.memory_space<semaphore_mem>>) src(%dma_wait3A_497 : memref<400xi32, #tpu.memory_space<hbm>>) dst(%dma_wait3A_495 : memref<400xi32, #tpu.memory_space<vmem>>)
        %dma_start3A_498 = arith.constant 7 : i32
        %dma_start3A_499 = arith.constant 0 : i32
        %dma_start3A_500 = tpu.memref_slice %arg6[%dma_start3A_498, %dma_start3A_499] : memref<8x400xi32, #tpu.memory_space<vmem>> -> memref<1x400xi32, #tpu.memory_space<vmem>>
        %dma_start3A_501 = tpu.memref_squeeze %dma_start3A_500 : memref<1x400xi32, #tpu.memory_space<vmem>> -> memref<400xi32, #tpu.memory_space<vmem>>
        %dma_start3A_502 = arith.constant 0 : i32
        %dma_start3A_503 = arith.constant 0 : i32
        %dma_start3A_504 = tpu.memref_slice %arg5[%dma_start3A_502, %dma_start3A_503] : memref<256x32xf32, #tpu.memory_space<vmem_shared>> -> memref<256x32xf32, #tpu.memory_space<vmem_shared>>
        tpu.enqueue_indirect_dma source(%dma_start3A_504 : memref<256x32xf32, #tpu.memory_space<vmem_shared>>) target(%arg14 : memref<400x32xf32, #tpu.memory_space<vmem>>) offsets(%dma_start3A_501 : memref<400xi32, #tpu.memory_space<vmem>>) semaphore(%arg22 : memref<!tpu.dma_semaphore, #tpu.memory_space<semaphore_mem>>)
      } else {
      }
      %mul3A_339 = arith.constant 8 : i32
      %mul3A_340 = arith.muli %mul3A_339, %scan3A_192 : i32
      %add3A_341 = arith.constant 4 : i32
      %add3A_342 = arith.addi %mul3A_340, %add3A_341 : i32
      %dma_wait3A_343 = arith.constant 4 : i32
      %dma_wait3A_344 = arith.constant 0 : i32
      %dma_wait3A_345 = tpu.memref_slice %arg6[%dma_wait3A_343, %dma_wait3A_344] : memref<8x400xi32, #tpu.memory_space<vmem>> -> memref<1x400xi32, #tpu.memory_space<vmem>>
      %dma_wait3A_346 = tpu.memref_squeeze %dma_wait3A_345 : memref<1x400xi32, #tpu.memory_space<vmem>> -> memref<400xi32, #tpu.memory_space<vmem>>
      %dma_wait3A_347 = arith.constant 0 : i32
      %dma_wait3A_348 = arith.constant 0 : i32
      %dma_wait3A_349 = tpu.memref_slice %arg5[%dma_wait3A_347, %dma_wait3A_348] : memref<256x32xf32, #tpu.memory_space<vmem_shared>> -> memref<256x32xf32, #tpu.memory_space<vmem_shared>>
      tpu.wait_indirect_dma semaphore(%arg19 : memref<!tpu.dma_semaphore, #tpu.memory_space<semaphore_mem>>) src(%dma_wait3A_349 : memref<256x32xf32, #tpu.memory_space<vmem_shared>>) dst(%arg11 : memref<400x32xf32, #tpu.memory_space<vmem>>)
      %mul3A_350 = arith.constant 400 : i32
      %mul3A_351 = arith.muli %add3A_342, %mul3A_350 : i32
      %add3A_352 = arith.addi %mul3A_2, %mul3A_351 : i32
      %dma_start3A_353 = arith.constant 0 : i32
      %dma_start3A_354 = tpu.memref_slice %arg4[%add3A_352, %dma_start3A_353] : memref<1638400x32xf32, #tpu.memory_space<hbm>> -> memref<400x32xf32, #tpu.memory_space<hbm>>
      %dma_start3A_355 = arith.constant 0 : i32
      %dma_start3A_356 = tpu.memref_slice %arg4[%add3A_352, %dma_start3A_355] : memref<1638400x32xf32, #tpu.memory_space<hbm>> -> memref<400x32xf32, #tpu.memory_space<hbm>>
      tpu.enqueue_dma source(%arg11 : memref<400x32xf32, #tpu.memory_space<vmem>>) target(%dma_start3A_356 : memref<400x32xf32, #tpu.memory_space<hbm>>) target_semaphore(%arg27 : memref<!tpu.dma_semaphore, #tpu.memory_space<semaphore_mem>>)
      %add3A_357 = arith.constant 8 : i32
      %add3A_358 = arith.addi %add3A_342, %add3A_357 : i32
      %lt3A_359 = arith.constant 128 : i32
      %lt3A_360 = arith.cmpi slt, %add3A_358, %lt3A_359 : i32
      %convert_element_type3A_361 = arith.extui %lt3A_360 : i1 to i32
      %cond3A_362 = arith.constant 0 : i32
      %cond3A_363 = arith.cmpi ne, %convert_element_type3A_361, %cond3A_362 : i32
      scf.if %cond3A_363 {
        %add3A_487 = arith.constant 8 : i32
        %add3A_488 = arith.addi %add3A_342, %add3A_487 : i32
        %mul3A_489 = arith.constant 400 : i32
        %mul3A_490 = arith.muli %add3A_488, %mul3A_489 : i32
        %add3A_491 = arith.addi %mul3A_2, %mul3A_490 : i32
        %dma_start3A_492 = arith.constant 4 : i32
        %dma_start3A_493 = arith.constant 0 : i32
        %dma_start3A_494 = tpu.memref_slice %arg6[%dma_start3A_492, %dma_start3A_493] : memref<8x400xi32, #tpu.memory_space<vmem>> -> memref<1x400xi32, #tpu.memory_space<vmem>>
        %dma_start3A_495 = tpu.memref_squeeze %dma_start3A_494 : memref<1x400xi32, #tpu.memory_space<vmem>> -> memref<400xi32, #tpu.memory_space<vmem>>
        %dma_start3A_496 = tpu.memref_slice %arg3[%add3A_491] : memref<1638400xi32, #tpu.memory_space<hbm>> -> memref<400xi32, #tpu.memory_space<hbm>>
        %dma_start3A_497 = arith.constant 0 : i32
        %dma_start3A_498 = tpu.memref_slice %arg6[%dma_start3A_492, %dma_start3A_497] : memref<8x400xi32, #tpu.memory_space<vmem>> -> memref<1x400xi32, #tpu.memory_space<vmem>>
        %dma_start3A_499 = tpu.memref_squeeze %dma_start3A_498 : memref<1x400xi32, #tpu.memory_space<vmem>> -> memref<400xi32, #tpu.memory_space<vmem>>
        %dma_start3A_500 = tpu.memref_slice %arg3[%add3A_491] : memref<1638400xi32, #tpu.memory_space<hbm>> -> memref<400xi32, #tpu.memory_space<hbm>>
        tpu.enqueue_dma source(%dma_start3A_500 : memref<400xi32, #tpu.memory_space<hbm>>) target(%dma_start3A_499 : memref<400xi32, #tpu.memory_space<vmem>>) target_semaphore(%arg35 : memref<!tpu.dma_semaphore, #tpu.memory_space<semaphore_mem>>)
      } else {
      }
      %ge3A_364 = arith.constant 4 : i32
      %ge3A_365 = arith.cmpi sge, %add3A_342, %ge3A_364 : i32
      %convert_element_type3A_366 = arith.extui %ge3A_365 : i1 to i32
      %cond3A_367 = arith.constant 0 : i32
      %cond3A_368 = arith.cmpi ne, %convert_element_type3A_366, %cond3A_367 : i32
      scf.if %cond3A_368 {
        %sub3A = arith.constant 4 : i32
        %sub3A_487 = arith.subi %add3A_342, %sub3A : i32
        %mul3A_488 = arith.constant 400 : i32
        %mul3A_489 = arith.muli %sub3A_487, %mul3A_488 : i32
        %add3A_490 = arith.addi %mul3A_2, %mul3A_489 : i32
        %dma_wait3A_491 = arith.constant 0 : i32
        %dma_wait3A_492 = tpu.memref_slice %arg4[%add3A_490, %dma_wait3A_491] : memref<1638400x32xf32, #tpu.memory_space<hbm>> -> memref<400x32xf32, #tpu.memory_space<hbm>>
        %dma_wait3A_493 = arith.constant 0 : i32
        %dma_wait3A_494 = tpu.memref_slice %arg4[%add3A_490, %dma_wait3A_493] : memref<1638400x32xf32, #tpu.memory_space<hbm>> -> memref<400x32xf32, #tpu.memory_space<hbm>>
        tpu.wait_dma2 semaphore(%arg23 : memref<!tpu.dma_semaphore, #tpu.memory_space<semaphore_mem>>) src(%arg7 : memref<400x32xf32, #tpu.memory_space<vmem>>) dst(%dma_wait3A_494 : memref<400x32xf32, #tpu.memory_space<hbm>>)
      } else {
      }
      %add3A_369 = arith.constant 4 : i32
      %add3A_370 = arith.addi %add3A_342, %add3A_369 : i32
      %lt3A_371 = arith.constant 128 : i32
      %lt3A_372 = arith.cmpi slt, %add3A_370, %lt3A_371 : i32
      %convert_element_type3A_373 = arith.extui %lt3A_372 : i1 to i32
      %cond3A_374 = arith.constant 0 : i32
      %cond3A_375 = arith.cmpi ne, %convert_element_type3A_373, %cond3A_374 : i32
      scf.if %cond3A_375 {
        %dma_wait3A_487 = arith.constant 0 : i32
        %dma_wait3A_488 = arith.constant 0 : i32
        %dma_wait3A_489 = tpu.memref_slice %arg6[%dma_wait3A_487, %dma_wait3A_488] : memref<8x400xi32, #tpu.memory_space<vmem>> -> memref<1x400xi32, #tpu.memory_space<vmem>>
        %dma_wait3A_490 = tpu.memref_squeeze %dma_wait3A_489 : memref<1x400xi32, #tpu.memory_space<vmem>> -> memref<400xi32, #tpu.memory_space<vmem>>
        %dma_wait3A_491 = arith.constant 0 : i32
        %dma_wait3A_492 = tpu.memref_slice %arg3[%dma_wait3A_491] : memref<1638400xi32, #tpu.memory_space<hbm>> -> memref<400xi32, #tpu.memory_space<hbm>>
        %dma_wait3A_493 = arith.constant 0 : i32
        %dma_wait3A_494 = tpu.memref_slice %arg6[%dma_wait3A_487, %dma_wait3A_493] : memref<8x400xi32, #tpu.memory_space<vmem>> -> memref<1x400xi32, #tpu.memory_space<vmem>>
        %dma_wait3A_495 = tpu.memref_squeeze %dma_wait3A_494 : memref<1x400xi32, #tpu.memory_space<vmem>> -> memref<400xi32, #tpu.memory_space<vmem>>
        %dma_wait3A_496 = arith.constant 0 : i32
        %dma_wait3A_497 = tpu.memref_slice %arg3[%dma_wait3A_496] : memref<1638400xi32, #tpu.memory_space<hbm>> -> memref<400xi32, #tpu.memory_space<hbm>>
        tpu.wait_dma2 semaphore(%arg31 : memref<!tpu.dma_semaphore, #tpu.memory_space<semaphore_mem>>) src(%dma_wait3A_497 : memref<400xi32, #tpu.memory_space<hbm>>) dst(%dma_wait3A_495 : memref<400xi32, #tpu.memory_space<vmem>>)
        %dma_start3A_498 = arith.constant 0 : i32
        %dma_start3A_499 = arith.constant 0 : i32
        %dma_start3A_500 = tpu.memref_slice %arg6[%dma_start3A_498, %dma_start3A_499] : memref<8x400xi32, #tpu.memory_space<vmem>> -> memref<1x400xi32, #tpu.memory_space<vmem>>
        %dma_start3A_501 = tpu.memref_squeeze %dma_start3A_500 : memref<1x400xi32, #tpu.memory_space<vmem>> -> memref<400xi32, #tpu.memory_space<vmem>>
        %dma_start3A_502 = arith.constant 0 : i32
        %dma_start3A_503 = arith.constant 0 : i32
        %dma_start3A_504 = tpu.memref_slice %arg5[%dma_start3A_502, %dma_start3A_503] : memref<256x32xf32, #tpu.memory_space<vmem_shared>> -> memref<256x32xf32, #tpu.memory_space<vmem_shared>>
        tpu.enqueue_indirect_dma source(%dma_start3A_504 : memref<256x32xf32, #tpu.memory_space<vmem_shared>>) target(%arg7 : memref<400x32xf32, #tpu.memory_space<vmem>>) offsets(%dma_start3A_501 : memref<400xi32, #tpu.memory_space<vmem>>) semaphore(%arg15 : memref<!tpu.dma_semaphore, #tpu.memory_space<semaphore_mem>>)
      } else {
      }
      %mul3A_376 = arith.constant 8 : i32
      %mul3A_377 = arith.muli %mul3A_376, %scan3A_192 : i32
      %add3A_378 = arith.constant 5 : i32
      %add3A_379 = arith.addi %mul3A_377, %add3A_378 : i32
      %dma_wait3A_380 = arith.constant 5 : i32
      %dma_wait3A_381 = arith.constant 0 : i32
      %dma_wait3A_382 = tpu.memref_slice %arg6[%dma_wait3A_380, %dma_wait3A_381] : memref<8x400xi32, #tpu.memory_space<vmem>> -> memref<1x400xi32, #tpu.memory_space<vmem>>
      %dma_wait3A_383 = tpu.memref_squeeze %dma_wait3A_382 : memref<1x400xi32, #tpu.memory_space<vmem>> -> memref<400xi32, #tpu.memory_space<vmem>>
      %dma_wait3A_384 = arith.constant 0 : i32
      %dma_wait3A_385 = arith.constant 0 : i32
      %dma_wait3A_386 = tpu.memref_slice %arg5[%dma_wait3A_384, %dma_wait3A_385] : memref<256x32xf32, #tpu.memory_space<vmem_shared>> -> memref<256x32xf32, #tpu.memory_space<vmem_shared>>
      tpu.wait_indirect_dma semaphore(%arg20 : memref<!tpu.dma_semaphore, #tpu.memory_space<semaphore_mem>>) src(%dma_wait3A_386 : memref<256x32xf32, #tpu.memory_space<vmem_shared>>) dst(%arg12 : memref<400x32xf32, #tpu.memory_space<vmem>>)
      %mul3A_387 = arith.constant 400 : i32
      %mul3A_388 = arith.muli %add3A_379, %mul3A_387 : i32
      %add3A_389 = arith.addi %mul3A_2, %mul3A_388 : i32
      %dma_start3A_390 = arith.constant 0 : i32
      %dma_start3A_391 = tpu.memref_slice %arg4[%add3A_389, %dma_start3A_390] : memref<1638400x32xf32, #tpu.memory_space<hbm>> -> memref<400x32xf32, #tpu.memory_space<hbm>>
      %dma_start3A_392 = arith.constant 0 : i32
      %dma_start3A_393 = tpu.memref_slice %arg4[%add3A_389, %dma_start3A_392] : memref<1638400x32xf32, #tpu.memory_space<hbm>> -> memref<400x32xf32, #tpu.memory_space<hbm>>
      tpu.enqueue_dma source(%arg12 : memref<400x32xf32, #tpu.memory_space<vmem>>) target(%dma_start3A_393 : memref<400x32xf32, #tpu.memory_space<hbm>>) target_semaphore(%arg28 : memref<!tpu.dma_semaphore, #tpu.memory_space<semaphore_mem>>)
      %add3A_394 = arith.constant 8 : i32
      %add3A_395 = arith.addi %add3A_379, %add3A_394 : i32
      %lt3A_396 = arith.constant 128 : i32
      %lt3A_397 = arith.cmpi slt, %add3A_395, %lt3A_396 : i32
      %convert_element_type3A_398 = arith.extui %lt3A_397 : i1 to i32
      %cond3A_399 = arith.constant 0 : i32
      %cond3A_400 = arith.cmpi ne, %convert_element_type3A_398, %cond3A_399 : i32
      scf.if %cond3A_400 {
        %add3A_487 = arith.constant 8 : i32
        %add3A_488 = arith.addi %add3A_379, %add3A_487 : i32
        %mul3A_489 = arith.constant 400 : i32
        %mul3A_490 = arith.muli %add3A_488, %mul3A_489 : i32
        %add3A_491 = arith.addi %mul3A_2, %mul3A_490 : i32
        %dma_start3A_492 = arith.constant 5 : i32
        %dma_start3A_493 = arith.constant 0 : i32
        %dma_start3A_494 = tpu.memref_slice %arg6[%dma_start3A_492, %dma_start3A_493] : memref<8x400xi32, #tpu.memory_space<vmem>> -> memref<1x400xi32, #tpu.memory_space<vmem>>
        %dma_start3A_495 = tpu.memref_squeeze %dma_start3A_494 : memref<1x400xi32, #tpu.memory_space<vmem>> -> memref<400xi32, #tpu.memory_space<vmem>>
        %dma_start3A_496 = tpu.memref_slice %arg3[%add3A_491] : memref<1638400xi32, #tpu.memory_space<hbm>> -> memref<400xi32, #tpu.memory_space<hbm>>
        %dma_start3A_497 = arith.constant 0 : i32
        %dma_start3A_498 = tpu.memref_slice %arg6[%dma_start3A_492, %dma_start3A_497] : memref<8x400xi32, #tpu.memory_space<vmem>> -> memref<1x400xi32, #tpu.memory_space<vmem>>
        %dma_start3A_499 = tpu.memref_squeeze %dma_start3A_498 : memref<1x400xi32, #tpu.memory_space<vmem>> -> memref<400xi32, #tpu.memory_space<vmem>>
        %dma_start3A_500 = tpu.memref_slice %arg3[%add3A_491] : memref<1638400xi32, #tpu.memory_space<hbm>> -> memref<400xi32, #tpu.memory_space<hbm>>
        tpu.enqueue_dma source(%dma_start3A_500 : memref<400xi32, #tpu.memory_space<hbm>>) target(%dma_start3A_499 : memref<400xi32, #tpu.memory_space<vmem>>) target_semaphore(%arg36 : memref<!tpu.dma_semaphore, #tpu.memory_space<semaphore_mem>>)
      } else {
      }
      %ge3A_401 = arith.constant 4 : i32
      %ge3A_402 = arith.cmpi sge, %add3A_379, %ge3A_401 : i32
      %convert_element_type3A_403 = arith.extui %ge3A_402 : i1 to i32
      %cond3A_404 = arith.constant 0 : i32
      %cond3A_405 = arith.cmpi ne, %convert_element_type3A_403, %cond3A_404 : i32
      scf.if %cond3A_405 {
        %sub3A = arith.constant 4 : i32
        %sub3A_487 = arith.subi %add3A_379, %sub3A : i32
        %mul3A_488 = arith.constant 400 : i32
        %mul3A_489 = arith.muli %sub3A_487, %mul3A_488 : i32
        %add3A_490 = arith.addi %mul3A_2, %mul3A_489 : i32
        %dma_wait3A_491 = arith.constant 0 : i32
        %dma_wait3A_492 = tpu.memref_slice %arg4[%add3A_490, %dma_wait3A_491] : memref<1638400x32xf32, #tpu.memory_space<hbm>> -> memref<400x32xf32, #tpu.memory_space<hbm>>
        %dma_wait3A_493 = arith.constant 0 : i32
        %dma_wait3A_494 = tpu.memref_slice %arg4[%add3A_490, %dma_wait3A_493] : memref<1638400x32xf32, #tpu.memory_space<hbm>> -> memref<400x32xf32, #tpu.memory_space<hbm>>
        tpu.wait_dma2 semaphore(%arg24 : memref<!tpu.dma_semaphore, #tpu.memory_space<semaphore_mem>>) src(%arg8 : memref<400x32xf32, #tpu.memory_space<vmem>>) dst(%dma_wait3A_494 : memref<400x32xf32, #tpu.memory_space<hbm>>)
      } else {
      }
      %add3A_406 = arith.constant 4 : i32
      %add3A_407 = arith.addi %add3A_379, %add3A_406 : i32
      %lt3A_408 = arith.constant 128 : i32
      %lt3A_409 = arith.cmpi slt, %add3A_407, %lt3A_408 : i32
      %convert_element_type3A_410 = arith.extui %lt3A_409 : i1 to i32
      %cond3A_411 = arith.constant 0 : i32
      %cond3A_412 = arith.cmpi ne, %convert_element_type3A_410, %cond3A_411 : i32
      scf.if %cond3A_412 {
        %dma_wait3A_487 = arith.constant 1 : i32
        %dma_wait3A_488 = arith.constant 0 : i32
        %dma_wait3A_489 = tpu.memref_slice %arg6[%dma_wait3A_487, %dma_wait3A_488] : memref<8x400xi32, #tpu.memory_space<vmem>> -> memref<1x400xi32, #tpu.memory_space<vmem>>
        %dma_wait3A_490 = tpu.memref_squeeze %dma_wait3A_489 : memref<1x400xi32, #tpu.memory_space<vmem>> -> memref<400xi32, #tpu.memory_space<vmem>>
        %dma_wait3A_491 = arith.constant 0 : i32
        %dma_wait3A_492 = tpu.memref_slice %arg3[%dma_wait3A_491] : memref<1638400xi32, #tpu.memory_space<hbm>> -> memref<400xi32, #tpu.memory_space<hbm>>
        %dma_wait3A_493 = arith.constant 0 : i32
        %dma_wait3A_494 = tpu.memref_slice %arg6[%dma_wait3A_487, %dma_wait3A_493] : memref<8x400xi32, #tpu.memory_space<vmem>> -> memref<1x400xi32, #tpu.memory_space<vmem>>
        %dma_wait3A_495 = tpu.memref_squeeze %dma_wait3A_494 : memref<1x400xi32, #tpu.memory_space<vmem>> -> memref<400xi32, #tpu.memory_space<vmem>>
        %dma_wait3A_496 = arith.constant 0 : i32
        %dma_wait3A_497 = tpu.memref_slice %arg3[%dma_wait3A_496] : memref<1638400xi32, #tpu.memory_space<hbm>> -> memref<400xi32, #tpu.memory_space<hbm>>
        tpu.wait_dma2 semaphore(%arg32 : memref<!tpu.dma_semaphore, #tpu.memory_space<semaphore_mem>>) src(%dma_wait3A_497 : memref<400xi32, #tpu.memory_space<hbm>>) dst(%dma_wait3A_495 : memref<400xi32, #tpu.memory_space<vmem>>)
        %dma_start3A_498 = arith.constant 1 : i32
        %dma_start3A_499 = arith.constant 0 : i32
        %dma_start3A_500 = tpu.memref_slice %arg6[%dma_start3A_498, %dma_start3A_499] : memref<8x400xi32, #tpu.memory_space<vmem>> -> memref<1x400xi32, #tpu.memory_space<vmem>>
        %dma_start3A_501 = tpu.memref_squeeze %dma_start3A_500 : memref<1x400xi32, #tpu.memory_space<vmem>> -> memref<400xi32, #tpu.memory_space<vmem>>
        %dma_start3A_502 = arith.constant 0 : i32
        %dma_start3A_503 = arith.constant 0 : i32
        %dma_start3A_504 = tpu.memref_slice %arg5[%dma_start3A_502, %dma_start3A_503] : memref<256x32xf32, #tpu.memory_space<vmem_shared>> -> memref<256x32xf32, #tpu.memory_space<vmem_shared>>
        tpu.enqueue_indirect_dma source(%dma_start3A_504 : memref<256x32xf32, #tpu.memory_space<vmem_shared>>) target(%arg8 : memref<400x32xf32, #tpu.memory_space<vmem>>) offsets(%dma_start3A_501 : memref<400xi32, #tpu.memory_space<vmem>>) semaphore(%arg16 : memref<!tpu.dma_semaphore, #tpu.memory_space<semaphore_mem>>)
      } else {
      }
      %mul3A_413 = arith.constant 8 : i32
      %mul3A_414 = arith.muli %mul3A_413, %scan3A_192 : i32
      %add3A_415 = arith.constant 6 : i32
      %add3A_416 = arith.addi %mul3A_414, %add3A_415 : i32
      %dma_wait3A_417 = arith.constant 6 : i32
      %dma_wait3A_418 = arith.constant 0 : i32
      %dma_wait3A_419 = tpu.memref_slice %arg6[%dma_wait3A_417, %dma_wait3A_418] : memref<8x400xi32, #tpu.memory_space<vmem>> -> memref<1x400xi32, #tpu.memory_space<vmem>>
      %dma_wait3A_420 = tpu.memref_squeeze %dma_wait3A_419 : memref<1x400xi32, #tpu.memory_space<vmem>> -> memref<400xi32, #tpu.memory_space<vmem>>
      %dma_wait3A_421 = arith.constant 0 : i32
      %dma_wait3A_422 = arith.constant 0 : i32
      %dma_wait3A_423 = tpu.memref_slice %arg5[%dma_wait3A_421, %dma_wait3A_422] : memref<256x32xf32, #tpu.memory_space<vmem_shared>> -> memref<256x32xf32, #tpu.memory_space<vmem_shared>>
      tpu.wait_indirect_dma semaphore(%arg21 : memref<!tpu.dma_semaphore, #tpu.memory_space<semaphore_mem>>) src(%dma_wait3A_423 : memref<256x32xf32, #tpu.memory_space<vmem_shared>>) dst(%arg13 : memref<400x32xf32, #tpu.memory_space<vmem>>)
      %mul3A_424 = arith.constant 400 : i32
      %mul3A_425 = arith.muli %add3A_416, %mul3A_424 : i32
      %add3A_426 = arith.addi %mul3A_2, %mul3A_425 : i32
      %dma_start3A_427 = arith.constant 0 : i32
      %dma_start3A_428 = tpu.memref_slice %arg4[%add3A_426, %dma_start3A_427] : memref<1638400x32xf32, #tpu.memory_space<hbm>> -> memref<400x32xf32, #tpu.memory_space<hbm>>
      %dma_start3A_429 = arith.constant 0 : i32
      %dma_start3A_430 = tpu.memref_slice %arg4[%add3A_426, %dma_start3A_429] : memref<1638400x32xf32, #tpu.memory_space<hbm>> -> memref<400x32xf32, #tpu.memory_space<hbm>>
      tpu.enqueue_dma source(%arg13 : memref<400x32xf32, #tpu.memory_space<vmem>>) target(%dma_start3A_430 : memref<400x32xf32, #tpu.memory_space<hbm>>) target_semaphore(%arg29 : memref<!tpu.dma_semaphore, #tpu.memory_space<semaphore_mem>>)
      %add3A_431 = arith.constant 8 : i32
      %add3A_432 = arith.addi %add3A_416, %add3A_431 : i32
      %lt3A_433 = arith.constant 128 : i32
      %lt3A_434 = arith.cmpi slt, %add3A_432, %lt3A_433 : i32
      %convert_element_type3A_435 = arith.extui %lt3A_434 : i1 to i32
      %cond3A_436 = arith.constant 0 : i32
      %cond3A_437 = arith.cmpi ne, %convert_element_type3A_435, %cond3A_436 : i32
      scf.if %cond3A_437 {
        %add3A_487 = arith.constant 8 : i32
        %add3A_488 = arith.addi %add3A_416, %add3A_487 : i32
        %mul3A_489 = arith.constant 400 : i32
        %mul3A_490 = arith.muli %add3A_488, %mul3A_489 : i32
        %add3A_491 = arith.addi %mul3A_2, %mul3A_490 : i32
        %dma_start3A_492 = arith.constant 6 : i32
        %dma_start3A_493 = arith.constant 0 : i32
        %dma_start3A_494 = tpu.memref_slice %arg6[%dma_start3A_492, %dma_start3A_493] : memref<8x400xi32, #tpu.memory_space<vmem>> -> memref<1x400xi32, #tpu.memory_space<vmem>>
        %dma_start3A_495 = tpu.memref_squeeze %dma_start3A_494 : memref<1x400xi32, #tpu.memory_space<vmem>> -> memref<400xi32, #tpu.memory_space<vmem>>
        %dma_start3A_496 = tpu.memref_slice %arg3[%add3A_491] : memref<1638400xi32, #tpu.memory_space<hbm>> -> memref<400xi32, #tpu.memory_space<hbm>>
        %dma_start3A_497 = arith.constant 0 : i32
        %dma_start3A_498 = tpu.memref_slice %arg6[%dma_start3A_492, %dma_start3A_497] : memref<8x400xi32, #tpu.memory_space<vmem>> -> memref<1x400xi32, #tpu.memory_space<vmem>>
        %dma_start3A_499 = tpu.memref_squeeze %dma_start3A_498 : memref<1x400xi32, #tpu.memory_space<vmem>> -> memref<400xi32, #tpu.memory_space<vmem>>
        %dma_start3A_500 = tpu.memref_slice %arg3[%add3A_491] : memref<1638400xi32, #tpu.memory_space<hbm>> -> memref<400xi32, #tpu.memory_space<hbm>>
        tpu.enqueue_dma source(%dma_start3A_500 : memref<400xi32, #tpu.memory_space<hbm>>) target(%dma_start3A_499 : memref<400xi32, #tpu.memory_space<vmem>>) target_semaphore(%arg37 : memref<!tpu.dma_semaphore, #tpu.memory_space<semaphore_mem>>)
      } else {
      }
      %ge3A_438 = arith.constant 4 : i32
      %ge3A_439 = arith.cmpi sge, %add3A_416, %ge3A_438 : i32
      %convert_element_type3A_440 = arith.extui %ge3A_439 : i1 to i32
      %cond3A_441 = arith.constant 0 : i32
      %cond3A_442 = arith.cmpi ne, %convert_element_type3A_440, %cond3A_441 : i32
      scf.if %cond3A_442 {
        %sub3A = arith.constant 4 : i32
        %sub3A_487 = arith.subi %add3A_416, %sub3A : i32
        %mul3A_488 = arith.constant 400 : i32
        %mul3A_489 = arith.muli %sub3A_487, %mul3A_488 : i32
        %add3A_490 = arith.addi %mul3A_2, %mul3A_489 : i32
        %dma_wait3A_491 = arith.constant 0 : i32
        %dma_wait3A_492 = tpu.memref_slice %arg4[%add3A_490, %dma_wait3A_491] : memref<1638400x32xf32, #tpu.memory_space<hbm>> -> memref<400x32xf32, #tpu.memory_space<hbm>>
        %dma_wait3A_493 = arith.constant 0 : i32
        %dma_wait3A_494 = tpu.memref_slice %arg4[%add3A_490, %dma_wait3A_493] : memref<1638400x32xf32, #tpu.memory_space<hbm>> -> memref<400x32xf32, #tpu.memory_space<hbm>>
        tpu.wait_dma2 semaphore(%arg25 : memref<!tpu.dma_semaphore, #tpu.memory_space<semaphore_mem>>) src(%arg9 : memref<400x32xf32, #tpu.memory_space<vmem>>) dst(%dma_wait3A_494 : memref<400x32xf32, #tpu.memory_space<hbm>>)
      } else {
      }
      %add3A_443 = arith.constant 4 : i32
      %add3A_444 = arith.addi %add3A_416, %add3A_443 : i32
      %lt3A_445 = arith.constant 128 : i32
      %lt3A_446 = arith.cmpi slt, %add3A_444, %lt3A_445 : i32
      %convert_element_type3A_447 = arith.extui %lt3A_446 : i1 to i32
      %cond3A_448 = arith.constant 0 : i32
      %cond3A_449 = arith.cmpi ne, %convert_element_type3A_447, %cond3A_448 : i32
      scf.if %cond3A_449 {
        %dma_wait3A_487 = arith.constant 2 : i32
        %dma_wait3A_488 = arith.constant 0 : i32
        %dma_wait3A_489 = tpu.memref_slice %arg6[%dma_wait3A_487, %dma_wait3A_488] : memref<8x400xi32, #tpu.memory_space<vmem>> -> memref<1x400xi32, #tpu.memory_space<vmem>>
        %dma_wait3A_490 = tpu.memref_squeeze %dma_wait3A_489 : memref<1x400xi32, #tpu.memory_space<vmem>> -> memref<400xi32, #tpu.memory_space<vmem>>
        %dma_wait3A_491 = arith.constant 0 : i32
        %dma_wait3A_492 = tpu.memref_slice %arg3[%dma_wait3A_491] : memref<1638400xi32, #tpu.memory_space<hbm>> -> memref<400xi32, #tpu.memory_space<hbm>>
        %dma_wait3A_493 = arith.constant 0 : i32
        %dma_wait3A_494 = tpu.memref_slice %arg6[%dma_wait3A_487, %dma_wait3A_493] : memref<8x400xi32, #tpu.memory_space<vmem>> -> memref<1x400xi32, #tpu.memory_space<vmem>>
        %dma_wait3A_495 = tpu.memref_squeeze %dma_wait3A_494 : memref<1x400xi32, #tpu.memory_space<vmem>> -> memref<400xi32, #tpu.memory_space<vmem>>
        %dma_wait3A_496 = arith.constant 0 : i32
        %dma_wait3A_497 = tpu.memref_slice %arg3[%dma_wait3A_496] : memref<1638400xi32, #tpu.memory_space<hbm>> -> memref<400xi32, #tpu.memory_space<hbm>>
        tpu.wait_dma2 semaphore(%arg33 : memref<!tpu.dma_semaphore, #tpu.memory_space<semaphore_mem>>) src(%dma_wait3A_497 : memref<400xi32, #tpu.memory_space<hbm>>) dst(%dma_wait3A_495 : memref<400xi32, #tpu.memory_space<vmem>>)
        %dma_start3A_498 = arith.constant 2 : i32
        %dma_start3A_499 = arith.constant 0 : i32
        %dma_start3A_500 = tpu.memref_slice %arg6[%dma_start3A_498, %dma_start3A_499] : memref<8x400xi32, #tpu.memory_space<vmem>> -> memref<1x400xi32, #tpu.memory_space<vmem>>
        %dma_start3A_501 = tpu.memref_squeeze %dma_start3A_500 : memref<1x400xi32, #tpu.memory_space<vmem>> -> memref<400xi32, #tpu.memory_space<vmem>>
        %dma_start3A_502 = arith.constant 0 : i32
        %dma_start3A_503 = arith.constant 0 : i32
        %dma_start3A_504 = tpu.memref_slice %arg5[%dma_start3A_502, %dma_start3A_503] : memref<256x32xf32, #tpu.memory_space<vmem_shared>> -> memref<256x32xf32, #tpu.memory_space<vmem_shared>>
        tpu.enqueue_indirect_dma source(%dma_start3A_504 : memref<256x32xf32, #tpu.memory_space<vmem_shared>>) target(%arg9 : memref<400x32xf32, #tpu.memory_space<vmem>>) offsets(%dma_start3A_501 : memref<400xi32, #tpu.memory_space<vmem>>) semaphore(%arg17 : memref<!tpu.dma_semaphore, #tpu.memory_space<semaphore_mem>>)
      } else {
      }
      %mul3A_450 = arith.constant 8 : i32
      %mul3A_451 = arith.muli %mul3A_450, %scan3A_192 : i32
      %add3A_452 = arith.constant 7 : i32
      %add3A_453 = arith.addi %mul3A_451, %add3A_452 : i32
      %dma_wait3A_454 = arith.constant 7 : i32
      %dma_wait3A_455 = arith.constant 0 : i32
      %dma_wait3A_456 = tpu.memref_slice %arg6[%dma_wait3A_454, %dma_wait3A_455] : memref<8x400xi32, #tpu.memory_space<vmem>> -> memref<1x400xi32, #tpu.memory_space<vmem>>
      %dma_wait3A_457 = tpu.memref_squeeze %dma_wait3A_456 : memref<1x400xi32, #tpu.memory_space<vmem>> -> memref<400xi32, #tpu.memory_space<vmem>>
      %dma_wait3A_458 = arith.constant 0 : i32
      %dma_wait3A_459 = arith.constant 0 : i32
      %dma_wait3A_460 = tpu.memref_slice %arg5[%dma_wait3A_458, %dma_wait3A_459] : memref<256x32xf32, #tpu.memory_space<vmem_shared>> -> memref<256x32xf32, #tpu.memory_space<vmem_shared>>
      tpu.wait_indirect_dma semaphore(%arg22 : memref<!tpu.dma_semaphore, #tpu.memory_space<semaphore_mem>>) src(%dma_wait3A_460 : memref<256x32xf32, #tpu.memory_space<vmem_shared>>) dst(%arg14 : memref<400x32xf32, #tpu.memory_space<vmem>>)
      %mul3A_461 = arith.constant 400 : i32
      %mul3A_462 = arith.muli %add3A_453, %mul3A_461 : i32
      %add3A_463 = arith.addi %mul3A_2, %mul3A_462 : i32
      %dma_start3A_464 = arith.constant 0 : i32
      %dma_start3A_465 = tpu.memref_slice %arg4[%add3A_463, %dma_start3A_464] : memref<1638400x32xf32, #tpu.memory_space<hbm>> -> memref<400x32xf32, #tpu.memory_space<hbm>>
      %dma_start3A_466 = arith.constant 0 : i32
      %dma_start3A_467 = tpu.memref_slice %arg4[%add3A_463, %dma_start3A_466] : memref<1638400x32xf32, #tpu.memory_space<hbm>> -> memref<400x32xf32, #tpu.memory_space<hbm>>
      tpu.enqueue_dma source(%arg14 : memref<400x32xf32, #tpu.memory_space<vmem>>) target(%dma_start3A_467 : memref<400x32xf32, #tpu.memory_space<hbm>>) target_semaphore(%arg30 : memref<!tpu.dma_semaphore, #tpu.memory_space<semaphore_mem>>)
      %add3A_468 = arith.constant 8 : i32
      %add3A_469 = arith.addi %add3A_453, %add3A_468 : i32
      %lt3A_470 = arith.constant 128 : i32
      %lt3A_471 = arith.cmpi slt, %add3A_469, %lt3A_470 : i32
      %convert_element_type3A_472 = arith.extui %lt3A_471 : i1 to i32
      %cond3A_473 = arith.constant 0 : i32
      %cond3A_474 = arith.cmpi ne, %convert_element_type3A_472, %cond3A_473 : i32
      scf.if %cond3A_474 {
        %add3A_487 = arith.constant 8 : i32
        %add3A_488 = arith.addi %add3A_453, %add3A_487 : i32
        %mul3A_489 = arith.constant 400 : i32
        %mul3A_490 = arith.muli %add3A_488, %mul3A_489 : i32
        %add3A_491 = arith.addi %mul3A_2, %mul3A_490 : i32
        %dma_start3A_492 = arith.constant 7 : i32
        %dma_start3A_493 = arith.constant 0 : i32
        %dma_start3A_494 = tpu.memref_slice %arg6[%dma_start3A_492, %dma_start3A_493] : memref<8x400xi32, #tpu.memory_space<vmem>> -> memref<1x400xi32, #tpu.memory_space<vmem>>
        %dma_start3A_495 = tpu.memref_squeeze %dma_start3A_494 : memref<1x400xi32, #tpu.memory_space<vmem>> -> memref<400xi32, #tpu.memory_space<vmem>>
        %dma_start3A_496 = tpu.memref_slice %arg3[%add3A_491] : memref<1638400xi32, #tpu.memory_space<hbm>> -> memref<400xi32, #tpu.memory_space<hbm>>
        %dma_start3A_497 = arith.constant 0 : i32
        %dma_start3A_498 = tpu.memref_slice %arg6[%dma_start3A_492, %dma_start3A_497] : memref<8x400xi32, #tpu.memory_space<vmem>> -> memref<1x400xi32, #tpu.memory_space<vmem>>
        %dma_start3A_499 = tpu.memref_squeeze %dma_start3A_498 : memref<1x400xi32, #tpu.memory_space<vmem>> -> memref<400xi32, #tpu.memory_space<vmem>>
        %dma_start3A_500 = tpu.memref_slice %arg3[%add3A_491] : memref<1638400xi32, #tpu.memory_space<hbm>> -> memref<400xi32, #tpu.memory_space<hbm>>
        tpu.enqueue_dma source(%dma_start3A_500 : memref<400xi32, #tpu.memory_space<hbm>>) target(%dma_start3A_499 : memref<400xi32, #tpu.memory_space<vmem>>) target_semaphore(%arg38 : memref<!tpu.dma_semaphore, #tpu.memory_space<semaphore_mem>>)
      } else {
      }
      %ge3A_475 = arith.constant 4 : i32
      %ge3A_476 = arith.cmpi sge, %add3A_453, %ge3A_475 : i32
      %convert_element_type3A_477 = arith.extui %ge3A_476 : i1 to i32
      %cond3A_478 = arith.constant 0 : i32
      %cond3A_479 = arith.cmpi ne, %convert_element_type3A_477, %cond3A_478 : i32
      scf.if %cond3A_479 {
        %sub3A = arith.constant 4 : i32
        %sub3A_487 = arith.subi %add3A_453, %sub3A : i32
        %mul3A_488 = arith.constant 400 : i32
        %mul3A_489 = arith.muli %sub3A_487, %mul3A_488 : i32
        %add3A_490 = arith.addi %mul3A_2, %mul3A_489 : i32
        %dma_wait3A_491 = arith.constant 0 : i32
        %dma_wait3A_492 = tpu.memref_slice %arg4[%add3A_490, %dma_wait3A_491] : memref<1638400x32xf32, #tpu.memory_space<hbm>> -> memref<400x32xf32, #tpu.memory_space<hbm>>
        %dma_wait3A_493 = arith.constant 0 : i32
        %dma_wait3A_494 = tpu.memref_slice %arg4[%add3A_490, %dma_wait3A_493] : memref<1638400x32xf32, #tpu.memory_space<hbm>> -> memref<400x32xf32, #tpu.memory_space<hbm>>
        tpu.wait_dma2 semaphore(%arg26 : memref<!tpu.dma_semaphore, #tpu.memory_space<semaphore_mem>>) src(%arg10 : memref<400x32xf32, #tpu.memory_space<vmem>>) dst(%dma_wait3A_494 : memref<400x32xf32, #tpu.memory_space<hbm>>)
      } else {
      }
      %add3A_480 = arith.constant 4 : i32
      %add3A_481 = arith.addi %add3A_453, %add3A_480 : i32
      %lt3A_482 = arith.constant 128 : i32
      %lt3A_483 = arith.cmpi slt, %add3A_481, %lt3A_482 : i32
      %convert_element_type3A_484 = arith.extui %lt3A_483 : i1 to i32
      %cond3A_485 = arith.constant 0 : i32
      %cond3A_486 = arith.cmpi ne, %convert_element_type3A_484, %cond3A_485 : i32
      scf.if %cond3A_486 {
        %dma_wait3A_487 = arith.constant 3 : i32
        %dma_wait3A_488 = arith.constant 0 : i32
        %dma_wait3A_489 = tpu.memref_slice %arg6[%dma_wait3A_487, %dma_wait3A_488] : memref<8x400xi32, #tpu.memory_space<vmem>> -> memref<1x400xi32, #tpu.memory_space<vmem>>
        %dma_wait3A_490 = tpu.memref_squeeze %dma_wait3A_489 : memref<1x400xi32, #tpu.memory_space<vmem>> -> memref<400xi32, #tpu.memory_space<vmem>>
        %dma_wait3A_491 = arith.constant 0 : i32
        %dma_wait3A_492 = tpu.memref_slice %arg3[%dma_wait3A_491] : memref<1638400xi32, #tpu.memory_space<hbm>> -> memref<400xi32, #tpu.memory_space<hbm>>
        %dma_wait3A_493 = arith.constant 0 : i32
        %dma_wait3A_494 = tpu.memref_slice %arg6[%dma_wait3A_487, %dma_wait3A_493] : memref<8x400xi32, #tpu.memory_space<vmem>> -> memref<1x400xi32, #tpu.memory_space<vmem>>
        %dma_wait3A_495 = tpu.memref_squeeze %dma_wait3A_494 : memref<1x400xi32, #tpu.memory_space<vmem>> -> memref<400xi32, #tpu.memory_space<vmem>>
        %dma_wait3A_496 = arith.constant 0 : i32
        %dma_wait3A_497 = tpu.memref_slice %arg3[%dma_wait3A_496] : memref<1638400xi32, #tpu.memory_space<hbm>> -> memref<400xi32, #tpu.memory_space<hbm>>
        tpu.wait_dma2 semaphore(%arg34 : memref<!tpu.dma_semaphore, #tpu.memory_space<semaphore_mem>>) src(%dma_wait3A_497 : memref<400xi32, #tpu.memory_space<hbm>>) dst(%dma_wait3A_495 : memref<400xi32, #tpu.memory_space<vmem>>)
        %dma_start3A_498 = arith.constant 3 : i32
        %dma_start3A_499 = arith.constant 0 : i32
        %dma_start3A_500 = tpu.memref_slice %arg6[%dma_start3A_498, %dma_start3A_499] : memref<8x400xi32, #tpu.memory_space<vmem>> -> memref<1x400xi32, #tpu.memory_space<vmem>>
        %dma_start3A_501 = tpu.memref_squeeze %dma_start3A_500 : memref<1x400xi32, #tpu.memory_space<vmem>> -> memref<400xi32, #tpu.memory_space<vmem>>
        %dma_start3A_502 = arith.constant 0 : i32
        %dma_start3A_503 = arith.constant 0 : i32
        %dma_start3A_504 = tpu.memref_slice %arg5[%dma_start3A_502, %dma_start3A_503] : memref<256x32xf32, #tpu.memory_space<vmem_shared>> -> memref<256x32xf32, #tpu.memory_space<vmem_shared>>
        tpu.enqueue_indirect_dma source(%dma_start3A_504 : memref<256x32xf32, #tpu.memory_space<vmem_shared>>) target(%arg10 : memref<400x32xf32, #tpu.memory_space<vmem>>) offsets(%dma_start3A_501 : memref<400xi32, #tpu.memory_space<vmem>>) semaphore(%arg18 : memref<!tpu.dma_semaphore, #tpu.memory_space<semaphore_mem>>)
      } else {
      }
    }
    %scan3A_167 = arith.constant 16 : i32
    %add3A_168 = arith.constant 49600 : i32
    %add3A_169 = arith.addi %mul3A_2, %add3A_168 : i32
    %dma_wait3A_170 = arith.constant 0 : i32
    %dma_wait3A_171 = tpu.memref_slice %arg4[%add3A_169, %dma_wait3A_170] : memref<1638400x32xf32, #tpu.memory_space<hbm>> -> memref<400x32xf32, #tpu.memory_space<hbm>>
    %dma_wait3A_172 = arith.constant 0 : i32
    %dma_wait3A_173 = tpu.memref_slice %arg4[%add3A_169, %dma_wait3A_172] : memref<1638400x32xf32, #tpu.memory_space<hbm>> -> memref<400x32xf32, #tpu.memory_space<hbm>>
    tpu.wait_dma2 semaphore(%arg27 : memref<!tpu.dma_semaphore, #tpu.memory_space<semaphore_mem>>) src(%arg11 : memref<400x32xf32, #tpu.memory_space<vmem>>) dst(%dma_wait3A_173 : memref<400x32xf32, #tpu.memory_space<hbm>>)
    %add3A_174 = arith.constant 50000 : i32
    %add3A_175 = arith.addi %mul3A_2, %add3A_174 : i32
    %dma_wait3A_176 = arith.constant 0 : i32
    %dma_wait3A_177 = tpu.memref_slice %arg4[%add3A_175, %dma_wait3A_176] : memref<1638400x32xf32, #tpu.memory_space<hbm>> -> memref<400x32xf32, #tpu.memory_space<hbm>>
    %dma_wait3A_178 = arith.constant 0 : i32
    %dma_wait3A_179 = tpu.memref_slice %arg4[%add3A_175, %dma_wait3A_178] : memref<1638400x32xf32, #tpu.memory_space<hbm>> -> memref<400x32xf32, #tpu.memory_space<hbm>>
    tpu.wait_dma2 semaphore(%arg28 : memref<!tpu.dma_semaphore, #tpu.memory_space<semaphore_mem>>) src(%arg12 : memref<400x32xf32, #tpu.memory_space<vmem>>) dst(%dma_wait3A_179 : memref<400x32xf32, #tpu.memory_space<hbm>>)
    %add3A_180 = arith.constant 50400 : i32
    %add3A_181 = arith.addi %mul3A_2, %add3A_180 : i32
    %dma_wait3A_182 = arith.constant 0 : i32
    %dma_wait3A_183 = tpu.memref_slice %arg4[%add3A_181, %dma_wait3A_182] : memref<1638400x32xf32, #tpu.memory_space<hbm>> -> memref<400x32xf32, #tpu.memory_space<hbm>>
    %dma_wait3A_184 = arith.constant 0 : i32
    %dma_wait3A_185 = tpu.memref_slice %arg4[%add3A_181, %dma_wait3A_184] : memref<1638400x32xf32, #tpu.memory_space<hbm>> -> memref<400x32xf32, #tpu.memory_space<hbm>>
    tpu.wait_dma2 semaphore(%arg29 : memref<!tpu.dma_semaphore, #tpu.memory_space<semaphore_mem>>) src(%arg13 : memref<400x32xf32, #tpu.memory_space<vmem>>) dst(%dma_wait3A_185 : memref<400x32xf32, #tpu.memory_space<hbm>>)
    %add3A_186 = arith.constant 50800 : i32
    %add3A_187 = arith.addi %mul3A_2, %add3A_186 : i32
    %dma_wait3A_188 = arith.constant 0 : i32
    %dma_wait3A_189 = tpu.memref_slice %arg4[%add3A_187, %dma_wait3A_188] : memref<1638400x32xf32, #tpu.memory_space<hbm>> -> memref<400x32xf32, #tpu.memory_space<hbm>>
    %dma_wait3A_190 = arith.constant 0 : i32
    %dma_wait3A_191 = tpu.memref_slice %arg4[%add3A_187, %dma_wait3A_190] : memref<1638400x32xf32, #tpu.memory_space<hbm>> -> memref<400x32xf32, #tpu.memory_space<hbm>>
    tpu.wait_dma2 semaphore(%arg30 : memref<!tpu.dma_semaphore, #tpu.memory_space<semaphore_mem>>) src(%arg14 : memref<400x32xf32, #tpu.memory_space<vmem>>) dst(%dma_wait3A_191 : memref<400x32xf32, #tpu.memory_space<hbm>>)
    return
  }
}

</mosaic_0001>

<sc_bundles>
// kernel: kernel.3.cloned.1.call-start
scs
__scs_entry_jumppad:
0x0: {  	(pc) =	sbr.rel $0x88, $3  }
0x1: {  	(tag) =	ssettag $0x0;
	lr =	simm.s32 $0x1  }
0x2: {  	[smem:$0x3F9E] =	sst lr;
	_ =	strace $0xD0000000  }
0x3: {  	_ = 	snop  }
0x4: {  	_ = 	snop  }
0x5: {  	_ = 	snop  }
0x6: {  	_ = 	snop  }
0x7: {  	_ = 	snop  }
__scs_overlays_trampoline_lowered:
0x8: {  	[smem:$0x3FAD] =	sst s0  }
0x9: {  	[smem:$0x3FAE] =	sst s1  }
0xa: {  	[smem:$0x3FAF] =	sst s2  }
0xb: {  	[smem:$0x3FB0] =	sst s3  }
0xc: {  	[smem:$0x3FB1] =	sst s4  }
0xd: {  	[smem:$0x3FB2] =	sst s5  }
0xe: {  	[smem:$0x3FB3] =	sst s6  }
0xf: {  	[smem:$0x3FB4] =	sst s7  }
0x10: {  	[smem:$0x3FB5] =	sst s8  }
0x11: {  	[smem:$0x3FB6] =	sst s9;
	s0 =	simm.s32 @!p0 $0x0  }
0x12: {  	s1 =	sld [smem:$0x3F9C];
	s0 =	simm.s32 @p0 $0x1  }
0x13: {  	[smem:$0x3FB7] =	sst s0;
	s0 =	simm.s32 @!p1 $0x0  }
0x14: {  	s2 =	sld [smem:$0x3F9B];
	s0 =	simm.s32 @p1 $0x1  }
0x15: {  	[smem:$0x3FB8] =	sst s0;
	s0 =	simm.s32 @!p2 $0x0  }
0x16: {  	s3 =	sld [smem:$0x3FDB];
	s0 =	simm.s32 @p2 $0x1  }
0x17: {  	s4 =	simm.s32 $0x1BF5;
	[smem:$0x3FBA] =	sst s0  }
0x18: {  	s0 =	sld [smem:$0x3F9D];
	_ =	swait.ge [sflag:s4], $0x0  }
0x19: {  	s7 =	sld [smem:$0x3F9E]  }
0x1a: {  	s8 =	sadd.s32 $0xFFFFE003, lr  }
0x1b: {  	s9 =	sadd.s32 $0xFFFFFEF7, lr;
	s5 =	simm.s32 $0xFFFFFFFF;
	p2 =	slt.u32 s8, $0xFFFFF086  }
0x1c: {  	p1 =	slt.u32 s9, $0xF7A;
	s5 =	simm.s32 @!p2 $0x0  }
0x1d: {  	s5 =	simm.s32 @p1 $0x1;
	p0 =	seq.s32 s7, s2  }
0x1e: {  	s7 =	smul.u32 @!p0 $0xF7A, s2;
	p2 =	seq.s32 @!p0 s5, $0x0  }
0x1f: {  	s9 =	smul.u32 $0xF7A, s1;
	s8 =	simm.s32 @!p0 $0x1BF5;
	p2 =	por !p2, p0  }
0x20: {  	[sflag:s8] =	ssyncset.s32 @!p0 $0xFFFFF086;
	s6 =	sadd.s32 @!p0 s3, s7;
	s7 =	simm.s32 @!p0 $0x108  }
0x21: {  	s3 =	sadd.s32 s3, s9;
	s6 =	sadd.s32 @!p0 $0x88, s6;
	s7 =	simm.s32 @p2 $0x1082  }
0x22: {  	[simem:s7], [sflag:s8] =	dma.local @!p0 [hbm:s6], $0xF7A  }
0x23: {  	s9 =	sor.u32 $0xD0000000, s2;
	s6 =	simm.s32 $0x108;
	_ =	swait.ge @!p0 [sflag:s8], $0x0  }
0x24: {  	s3 =	sadd.s32 $0x88, s3;
	s6 =	simm.s32 @!p1 $0x1082;
	[sflag:s4] =	ssyncset.s32 $0xFFFFF086  }
0x25: {  	[simem:s6], [sflag:s4] =	dma.local [hbm:s3], $0xF7A  }
0x26: {  	[smem:$0x3F9E] =	sst s1;
	(tag) =	ssettag s2;
	_ =	strace s9  }
0x27: {  	s1 =	sld [smem:$0x3FAE]  }
0x28: {  	s2 =	sld [smem:$0x3FAF]  }
0x29: {  	s4 =	sld [smem:$0x3FB1]  }
0x2a: {  	p0 =	seq.s32 s5, $0x0;
	s5 =	sld [smem:$0x3FB2]  }
0x2b: {  	s6 =	sld [smem:$0x3FB3]  }
0x2c: {  	s7 =	sld [smem:$0x3FB4]  }
0x2d: {  	s3 =	simm.s32 $0x108;
	s8 =	sld [smem:$0x3FB5]  }
0x2e: {  	s3 =	simm.s32 @!p0 $0x1082;
	s9 =	sld [smem:$0x3FB6]  }
0x2f: {  	lr =	sadd.s32 s0, s3;
	s0 =	sld [smem:$0x3FAD]  }
0x30: {  	s3 =	sld [smem:$0x3FB0]  }
0x31: {  	[smem:$0x3FB9] =	sst s10  }
0x32: {  	s10 =	sld [smem:$0x3FB7];
	_ =	sdelay $0x3  }
0x33: {  	p0 =	seq.s32 s10, $0x1;
	s10 =	sld [smem:$0x3FB9];
	_ =	sdelay $0x3  }
0x34: {  	[smem:$0x3FB9] =	sst s10  }
0x35: {  	s10 =	sld [smem:$0x3FB8];
	_ =	sdelay $0x3  }
0x36: {  	p1 =	seq.s32 s10, $0x1;
	s10 =	sld [smem:$0x3FB9];
	_ =	sdelay $0x3  }
0x37: {  	[smem:$0x3FB9] =	sst s10  }
0x38: {  	s10 =	sld [smem:$0x3FBA]  }
0x39: {  	_ = 	snop;
	(pc) =	sbr.ind lr, $3  }
0x3a: {  	_ = 	snop  }
0x3b: {  	_ = 	snop  }
0x3c: {  	p2 =	seq.s32 s10, $0x1;
	s10 =	sld [smem:$0x3FB9]  }
0x3d: {  	_ =	shalt  }
0x3e: {  	_ =	shalt  }
0x3f: {  	_ =	shalt  }
0x40: {  	_ =	shalt  }
0x41: {  	_ =	shalt  }
0x42: {  	_ =	shalt  }
0x43: {  	_ =	shalt  }
0x44: {  	_ =	shalt  }
0x45: {  	_ =	shalt  }
0x46: {  	_ =	shalt  }
0x47: {  	_ =	shalt  }
0x48: {  	_ =	shalt  }
0x49: {  	_ =	shalt  }
0x4a: {  	_ =	shalt  }
0x4b: {  	_ =	shalt  }
0x4c: {  	_ =	shalt  }
0x4d: {  	_ =	shalt  }
0x4e: {  	_ =	shalt  }
0x4f: {  	_ =	shalt  }
0x50: {  	_ =	shalt  }
0x51: {  	_ =	shalt  }
0x52: {  	_ =	shalt  }
0x53: {  	_ =	shalt  }
0x54: {  	_ =	shalt  }
0x55: {  	_ =	shalt  }
0x56: {  	_ =	shalt  }
0x57: {  	_ =	shalt  }
0x58: {  	_ =	shalt  }
0x59: {  	_ =	shalt  }
0x5a: {  	_ =	shalt  }
0x5b: {  	_ =	shalt  }
0x5c: {  	_ =	shalt  }
0x5d: {  	_ =	shalt  }
0x5e: {  	_ =	shalt  }
0x5f: {  	_ =	shalt  }
0x60: {  	_ =	shalt  }
0x61: {  	_ =	shalt  }
0x62: {  	_ =	shalt  }
0x63: {  	_ =	shalt  }
0x64: {  	_ =	shalt  }
0x65: {  	_ =	shalt  }
0x66: {  	_ =	shalt  }
0x67: {  	_ =	shalt  }
0x68: {  	_ =	shalt  }
0x69: {  	_ =	shalt  }
0x6a: {  	_ =	shalt  }
0x6b: {  	_ =	shalt  }
0x6c: {  	_ =	shalt  }
0x6d: {  	_ =	shalt  }
0x6e: {  	_ =	shalt  }
0x6f: {  	_ =	shalt  }
0x70: {  	_ =	shalt  }
0x71: {  	_ =	shalt  }
0x72: {  	_ =	shalt  }
0x73: {  	_ =	shalt  }
0x74: {  	_ =	shalt  }
0x75: {  	_ =	shalt  }
0x76: {  	_ =	shalt  }
0x77: {  	_ =	shalt  }
0x78: {  	_ =	shalt  }
0x79: {  	_ =	shalt  }
0x7a: {  	_ =	shalt  }
0x7b: {  	_ =	shalt  }
0x7c: {  	_ =	shalt  }
0x7d: {  	_ =	shalt  }
0x7e: {  	_ =	shalt  }
0x7f: {  	_ =	shalt  }
0x80: {  	_ =	shalt  }
0x81: {  	_ =	shalt  }
0x82: {  	_ =	shalt  }
0x83: {  	_ =	shalt  }
0x84: {  	_ =	shalt  }
0x85: {  	_ =	shalt  }
0x86: {  	_ =	shalt  }
0x87: {  	_ =	shalt  }
.Lfunc_end0:
.L_simem_size_0:
called_computation_lowered:
.L_overlay_start_0:
0x88: {  	s2 =	sld [smem:$0x3FD9]  }
0x89: {  	s3 =	sld [smem:$0x3FFE];
	_ =	sdelay $0x1  }
0x8a: {  	s1 =	srdreg.scid  }
0x8b: {  	s0 =	sand.u32 $0x1, s1  }
0x8c: {  	s17 =	sshll.u32 s0, $0xA;
	s2 =	sadd.s32 s3, s2  }
0x8d: {  	s2 =	sadd.s32 s2, s17  }
0x8e: {  	[smem:$0x3FC5] =	sst s2  }
0x8f: {  	_ = 	snop  }
0x90: {  	s2 =	sld [smem:$0x3FD0];
	(tm) =	ssettm $0x1  }
0x91: {  	s18 =	sld [smem:$0x3FFB];
	_ =	sdelay $0x3  }
0x92: {  	_ =	strace s18  }
0x93: {  	s3 =	sld [smem:$0x3FFC];
	_ =	sdelay $0x3  }
0x94: {  	_ =	strace s3  }
0x95: {  	s3 =	sld [smem:$0x3FFD];
	_ =	sdelay $0x3  }
0x96: {  	_ =	strace s3  }
0x97: {  	_ =	strace $0x8FFFFFFF  }
0x98: {  	s19 =	sld [smem:$0x3FDB];
	_ =	sdelay $0x1  }
0x99: {  	s4 =	simm.s32 $_scs_section_size  }
0x9a: {  	s5 =	simm.s32 $_size__tile_overlayer_lowered;
	s6 =	simm.s32 $_tile_overlayer_lowered  }
0x9b: {  	s22 =	simm.s32 $0x1BFF;
	s21 =	sshll.u32 s6, $0x1;
	s3 =	sadd.s32 s4, s19  }
0x9c: {  	s7 =	simm.s32 $0x0;
	s20 =	sshll.u32 s5, $0x1;
	s5 =	sadd.s32 s21, s3  }
0x9d: {  	[timem:s7], [sflag:s22] =	dma.local [hbm:s5], s20  }
0x9e: {  	_ =	swait.ge [sflag:s22], s20  }
0x9f: {  	s4 =	ssub.s32 $0x0, s20;
	[sflag:s22] =	ssyncset.done $0x0  }
0xa0: {  	[sflag:s22] =	ssyncadd.s32 s4;
	_ =	sdelay $0x1  }
0xa1: {  	s23 =	simm.s32 $0x1B8B  }
0xa2: {  	_ =	swait.ge [sflag:s23], $0x1  }
0xa3: {  	[sflag:s23] =	ssyncset.done $0x0  }
0xa4: {  	s25 =	simm.s32 $0x1B8E;
	s24 =	sld [smem:$0x3FFE];
	[sflag:s23] =	ssyncadd.s32 $0xFFFFFFFF  }
0xa5: {  	s26 =	simm.s32 $execute0_lowered;
	[smem:$0x3FD2] =	sst s25  }
0xa6: {  	s5 =	sshll.u32 s26, $0x1;
	_ =	strace $0x80000046;
	[dreg:$0x1] =	wrdreg $0xFFFFFFFF  }
0xa7: {  	s28 =	simm.s32 $_size_execute0_lowered;
	s3 =	sadd.s32 s3, s5;
	[dreg:$0x0] =	wrdreg $0x0  }
0xa8: {  	s5 =	sshll.u32 s28, $0x1;
	[dreg:$0x2] =	wrdreg s3  }
0xa9: {  	[dreg:$0x3] =	wrdreg s5  }
0xaa: {  	[dreg:$0x4] =	wrdreg $0xC0  }
0xab: {  	_ =	task [dreg:s7], $0x5FFFF  }
0xac: {  	[dreg:$0x1] =	wrdreg $0xFFFFFFFF  }
0xad: {  	[dreg:$0x0] =	wrdreg $0x60  }
0xae: {  	[dreg:$0x2] =	wrdreg s24  }
0xaf: {  	[dreg:$0x3] =	wrdreg s2  }
0xb0: {  	[dreg:$0x4] =	wrdreg $0x0  }
0xb1: {  	[dreg:$0x5] =	wrdreg $0x9  }
0xb2: {  	_ =	task.clear_ibuf [dreg:s7], $0x6FFFF;
	_ =	strace $0x90000046  }
0xb3: {  	s29 =	simm.s32 $0x9;
	_ =	strace $0x80000048  }
0xb4: {  	_ =	swait.ge [sflag:s29], $0x1  }
0xb5: {  	[sflag:s29] =	ssyncadd.s32 $0xFFFFFFFF  }
0xb6: {  	_ =	strace $0x90000048  }
0xb7: {  	_ =	sfence  }
0xb8: {  	s30 =	sld [smem:$0x0];
	_ =	sdelay $0x2  }
0xb9: {  	s31 =	sshll.u32 s1, $0xD;
	s1 =	sshrl.u32 s1, $0x2  }
0xba: {  	s3 =	sand.u32 $0x4000, s31;
	s1 =	sadd.s32 s1, s30  }
0xbb: {  	s0 =	sor.u32 s3, s0;
	s1 =	sshll.u32 s1, $0x11  }
0xbc: {  	s0 =	sor.u32 s1, s0  }
0xbd: {  	s0 =	sadd.s32 $0x8F2B, s0  }
0xbe: {  	[sflag:s0] =	ssyncadd.remote.s32 $0x1  }
0xbf: {  	_ =	sfence.sel $0xFFFF  }
0xc0: {  	[dreg:$0x0] =	wrdreg $0xFFFFFFFF;
	(pc) =	sbr.abs _section_cstart, $3  }
0xc1: {  	[dreg:$0x1] =	wrdreg $0xFFFFFFFF  }
0xc2: {  	_ =	task.clear_ibuf [dreg:s7], $0x2FFFF;
	_ =	strace $0x9FFFFFFF  }
0xc3: {  	(tm) =	ssettm $0x7FFFFFFF  }
tec
execute0_lowered:
.L_overlay_start_1:
0x0: {  	(tag) =	ssettag $0x1  }
0x1: {  	s0 =	rddreg [dreg:$0x0]  }
0x2: {  	s10 =	rddreg [dreg:$0x1]  }
0x3: {  	s1 =	srdreg.scid;
	s4 =	stileid.u32  }
0x4: {  	s2 =	rddreg [dreg:$0x2];
	s3 =	simm.s32 $0x0;
	s31 =	simm.s32 $0xCF0  }
0x5: {  	s29 =	simm.s32 $0x15;
	s28 =	simm.s32 $0x17;
	s30 =	simm.s32 $0x4  }
0x6: {  	s1 =	sand.u32 $0x1, s1;
	s5 =	sshll.u32 s4, $0x1;
	[smem:$0x7FF] =	sst s3  }
0x7: {  	s6 =	sadd.s32 $0x400, s0;
	s19 =	smul.u32 $0x19000, s4;
	s0 =	sadd.s32 $0x800, s0  }
0x8: {  	s15 =	smul.u32 $0x64000, s4;
	p0 =	sne.s32 s4, $0x0;
	s4 =	simm.s32 $0x1  }
0x9: {  	s5 =	sor.u32 s1, s5;
	_ =	strace $0x80000047;
	s8 =	smul.u32 $0xC800, s1  }
0xa: {  	[dreg:$0x4] =	wrdreg s6;
	s7 =	ssub.s32 $0x2, s1;
	s5 =	smul.u32 $0xC800, s5  }
0xb: {  	s1 =	smul.u32 $0x32000, s1;
	s9 =	sshrl.u32 s7, $0x1;
	s6 =	sadd.s32 s8, s19  }
0xc: {  	s20 =	ssub.s32 s7, s9;
	s5 =	sshrl.u32 s5, $0x3;
	s24 =	sshll.u32 s6, $0x2  }
0xd: {  	s25 =	sadd.s32 $0x1770, s6;
	s10 =	sadd.s32 s10, s5;
	s5 =	smax.u32 s20, $0x1  }
0xe: {  	s8 =	sadd.s32 $0x15E0, s6;
	s11 =	sadd.s32 $0x1450, s6;
	[dreg:$0x9] =	wrdreg s5  }
0xf: {  	s13 =	sadd.s32 $0x12C0, s6;
	s21 =	sadd.s32 $0x32, s10;
	[dreg:$0x5] =	wrdreg s10  }
0x10: {  	s14 =	sadd.s32 $0x1130, s6;
	s22 =	sadd.s32 $0x64, s10;
	[dreg:$0x6] =	wrdreg s21  }
0x11: {  	s18 =	sadd.s32 $0xFA0, s6;
	s23 =	sadd.s32 $0x96, s10;
	[dreg:$0x7] =	wrdreg s22  }
0x12: {  	s7 =	sadd.s32 s24, s0;
	s5 =	sshrl.u32 s25, $0x3;
	[dreg:$0x8] =	wrdreg s23  }
0x13: {  	s19 =	sadd.s32 $0xE10, s6;
	s26 =	sadd.s32 $0x2BC0, s7;
	[dreg:$0xa] =	wrdreg s5  }
0x14: {  	s0 =	sadd.s32 s15, s0;
	s9 =	sadd.s32 $0x2580, s7;
	[dreg:$0xb] =	wrdreg s26  }
0x15: {  	s15 =	simm.s32 $0x8;
	s12 =	sadd.s32 $0x1F40, s7;
	[dreg:$0xd] =	wrdreg s9  }
0x16: {  	s16 =	sadd.s32 $0x1900, s7;
	s17 =	sadd.s32 $0x12C0, s7;
	[dreg:$0xf] =	wrdreg s12  }
0x17: {  	s0 =	sadd.s32 s1, s0;
	s20 =	sadd.s32 $0xC80, s7;
	[dreg:$0x11] =	wrdreg s16  }
0x18: {  	s24 =	sadd.s32 $0xFA, s10;
	s25 =	sadd.s32 $0x12C, s10;
	[dreg:$0x13] =	wrdreg s17  }
0x19: {  	s1 =	simm.s32 $0x190;
	s5 =	sshrl.u32 s8, $0x3;
	[dreg:$0x15] =	wrdreg s0  }
0x1a: {  	[dreg:$0x16] =	wrdreg s20;
	s0 =	sshrl.u32 s19, $0x3;
	s21 =	sadd.s32 $0x640, s7  }
0x1b: {  	s22 =	sadd.s32 $0xC80, s6;
	s23 =	sadd.s32 $0xC8, s10;
	[dreg:$0x1b] =	wrdreg s24  }
0x1c: {  	[dreg:$0x1c] =	wrdreg s25;
	s26 =	sadd.s32 $0x15E, s10;
	s6 =	simm.s32 $0x2  }
0x1d: {  	s7 =	simm.s32 $0x16;
	s8 =	simm.s32 $0x10880;
	[dreg:$0xc] =	wrdreg s5  }
0x1e: {  	s9 =	simm.s32 $0x3;
	s25 =	simm.s32 $0x13A80;
	[dreg:$0x17] =	wrdreg s0  }
0x1f: {  	s10 =	simm.s32 $0x18;
	s12 =	simm.s32 $0x5;
	[dreg:$0x18] =	wrdreg s21  }
0x20: {  	s16 =	simm.s32 $0xC;
	s17 =	simm.s32 $0xD;
	[dreg:$0x19] =	wrdreg s22  }
0x21: {  	s20 =	simm.s32 $0x0;
	s5 =	sshrl.u32 s11, $0x3;
	[dreg:$0x1a] =	wrdreg s23  }
.Ltmp0:
0x22: {  	[dreg:$0x1d] =	wrdreg s26;
	s26 =	simm.s32 $0xA480;
	(pc) =	sbr.rel .LBB2_1-.Ltmp0, $4  }
0x23: {  	s0 =	simm.s32 $0xD680;
	[dreg:$0xe] =	wrdreg s5;
	s5 =	sshrl.u32 s13, $0x3  }
0x24: {  	s11 =	simm.s32 $0x16C80;
	[dreg:$0x10] =	wrdreg s5;
	s5 =	sshrl.u32 s14, $0x3  }
0x25: {  	s13 =	simm.s32 $0x6;
	[dreg:$0x12] =	wrdreg s5;
	s5 =	sshrl.u32 s18, $0x3  }
0x26: {  	s14 =	simm.s32 $0x7;
	[dreg:$0x14] =	wrdreg s5;
	s5 =	simm.s32 $0x14  }
.LBB2_7:
0x27: {  	_ =	swait.ge [sflag:s16], $0x3200  }
0x28: {  	[sflag:s16] =	ssyncset.done $0x0  }
0x29: {  	[sflag:s16] =	ssyncadd.s32 $0xFFFFCE00  }
0x2a: {  	_ =	swait.ge [sflag:s17], $0x3200  }
0x2b: {  	[sflag:s17] =	ssyncset.done $0x0  }
0x2c: {  	s18 =	simm.s32 $0xE;
	[sflag:s17] =	ssyncadd.s32 $0xFFFFCE00  }
0x2d: {  	_ =	swait.ge [sflag:s18], $0x3200  }
0x2e: {  	[sflag:s18] =	ssyncset.done $0x0  }
0x2f: {  	s23 =	simm.s32 $0xF;
	[sflag:s18] =	ssyncadd.s32 $0xFFFFCE00  }
0x30: {  	_ =	swait.ge [sflag:s23], $0x3200  }
0x31: {  	[sflag:s23] =	ssyncset.done $0x0  }
0x32: {  	s19 =	simm.s32 $0x10;
	[sflag:s23] =	ssyncadd.s32 $0xFFFFCE00  }
0x33: {  	_ =	swait.ge [sflag:s19], $0x3200  }
0x34: {  	s20 =	rddreg [dreg:$0x1e]  }
0x35: {  	s24 =	rddreg [dreg:$0x9];
	s20 =	sadd.s32 $0x1, s20  }
0x36: {  	p1 =	sne.s32 s20, s24  }
.Ltmp1:
0x37: {  	_ = 	snop;
	(pc) =	sbr.rel @!p1 .LBB2_8-.Ltmp1, $3  }
0x38: {  	_ =	sdelay $0x1  }
0x39: {  	[sflag:s19] =	ssyncset.done $0x0  }
0x3a: {  	[sflag:s19] =	ssyncadd.s32 $0xFFFFCE00  }
.LBB2_1:
0x3b: {  	[dreg:$0x1e] =	wrdreg s20  }
0x3c: {  	s18 =	sshrl.u32 @!p0 s2, $0x3;
	s19 =	simm.s32 @!p0 $0x1C19;
	s20 =	rddreg [dreg:$0x4]  }
0x3d: {  	[spmem:s18], [sflag:s19] =	dma.local @!p0 [hbm:s20], $0x400  }
0x3e: {  	s18 =	simm.s32 @!p0 $0x19  }
0x3f: {  	_ =	swait.ge @!p0 [sflag:s18], $0x400  }
0x40: {  	[sflag:s18] =	ssyncset.done @!p0 $0x0  }
0x41: {  	[sflag:s18] =	ssyncadd.s32 @!p0 $0xFFFFFC00  }
0x42: {  	[bflag:$0x0] =	sbarrier.arrive $0xFFFF  }
0x43: {  	s19 =	simm.s32 $0x200;
	s20 =	rddreg [dreg:$0x5]  }
0x44: {  	[tilespmem:s19], [sflag:$0x11] =	stream.linear.gather [hbm4b:s20+s3], $0x190, $0x38;
	[tilespmem:$0x19E80] =	vst v63  }
0x45: {  	s21 =	rddreg [dreg:$0x6];
	s20 =	simm.s32 $0x390  }
0x46: {  	[tilespmem:s20], [sflag:$0x12] =	stream.linear.gather [hbm4b:s21+s3], $0x190, $0x38;
	[tilespmem:$0x19E80] =	vst v63  }
0x47: {  	s22 =	rddreg [dreg:$0x7];
	s21 =	simm.s32 $0x520  }
0x48: {  	[tilespmem:s21], [sflag:$0x13] =	stream.linear.gather [hbm4b:s22+s3], $0x190, $0x38;
	[tilespmem:$0x19E80] =	vst v63  }
0x49: {  	s23 =	rddreg [dreg:$0x8];
	s22 =	simm.s32 $0x6B0  }
0x4a: {  	[tilespmem:s22], [sflag:$0x14] =	stream.linear.gather [hbm4b:s23+s3], $0x190, $0x38;
	[tilespmem:$0x19E80] =	vst v63  }
0x4b: {  	s24 =	rddreg [dreg:$0x1a];
	s23 =	simm.s32 $0x840  }
0x4c: {  	[tilespmem:s23], [sflag:$0x15] =	stream.linear.gather [hbm4b:s24+s3], $0x190, $0x38;
	[tilespmem:$0x19E80] =	vst v63  }
0x4d: {  	s23 =	rddreg [dreg:$0x1b];
	s24 =	simm.s32 $0x9D0  }
0x4e: {  	[tilespmem:s24], [sflag:$0x16] =	stream.linear.gather [hbm4b:s23+s3], $0x190, $0x38;
	[tilespmem:$0x19E80] =	vst v63  }
0x4f: {  	s23 =	rddreg [dreg:$0x1c];
	s24 =	simm.s32 $0xB60  }
0x50: {  	[tilespmem:s24], [sflag:$0x17] =	stream.linear.gather [hbm4b:s23+s3], $0x190, $0x38;
	[tilespmem:$0x19E80] =	vst v63  }
0x51: {  	s23 =	rddreg [dreg:$0x1d];
	s24 =	simm.s32 $0x11  }
0x52: {  	[tilespmem:s31], [sflag:$0x18] =	stream.linear.gather [hbm4b:s23+s3], $0x190, $0x38;
	[tilespmem:$0x19E80] =	vst v63  }
0x53: {  	_ =	swait.ge [sflag:s24], $0x190  }
0x54: {  	[sflag:s24] =	ssyncset.done $0x0  }
0x55: {  	s23 =	simm.s32 $0xE80;
	[sflag:s24] =	ssyncadd.s32 $0xFFFFFE70;
	s24 =	simm.s32 $0x12  }
0x56: {  	[tilespmem:s23], [sflag:$0x1] =	stream.indirect.gather [spmem:s2], $0x20, s19, s1, $0xb8;
	[tilespmem:$0x19E80] =	vst v63  }
0x57: {  	_ =	swait.ge [sflag:s24], $0x190  }
0x58: {  	[sflag:s24] =	ssyncset.done $0x0  }
0x59: {  	s19 =	simm.s32 $0x4080;
	s23 =	simm.s32 $0x13;
	[sflag:s24] =	ssyncadd.s32 $0xFFFFFE70  }
0x5a: {  	[tilespmem:s19], [sflag:$0x2] =	stream.indirect.gather [spmem:s2], $0x20, s20, s1, $0xb8;
	[tilespmem:$0x19E80] =	vst v63  }
0x5b: {  	_ =	swait.ge [sflag:s23], $0x190  }
0x5c: {  	[sflag:s23] =	ssyncset.done $0x0  }
0x5d: {  	s24 =	simm.s32 $0x7280;
	[sflag:s23] =	ssyncadd.s32 $0xFFFFFE70  }
0x5e: {  	[tilespmem:s24], [sflag:$0x3] =	stream.indirect.gather [spmem:s2], $0x20, s21, s1, $0xb8;
	[tilespmem:$0x19E80] =	vst v63  }
0x5f: {  	_ =	swait.ge [sflag:s5], $0x190  }
0x60: {  	[sflag:s5] =	ssyncset.done $0x0  }
0x61: {  	s18 =	rddreg [dreg:$0x19];
	[sflag:s5] =	ssyncadd.s32 $0xFFFFFE70  }
0x62: {  	[tilespmem:s26], [sflag:$0x4] =	stream.indirect.gather [spmem:s2], $0x20, s22, s1, $0xb8;
	[tilespmem:$0x19E80] =	vst v63  }
0x63: {  	s20 =	simm.s32 $0x0;
	s19 =	rddreg [dreg:$0x1]  }
.LBB2_2:
0x64: {  	p1 =	seq.s32 s20, $0x2EE00  }
0x65: {  	_ =	swait.ge [sflag:s4], $0x3200;
	s22 =	simm.s32 $0xE80;
	p2 =	seq.s32 @!p1 s20, $0x0  }
0x66: {  	[sflag:s4] =	ssyncset.done $0x0;
	s21 =	rddreg [dreg:$0x15];
	p2 =	por p1, !p2  }
.Ltmp2:
0x67: {  	[sflag:s4] =	ssyncadd.s32 $0xFFFFCE00;
	s21 =	sadd.s32 s20, s21;
	(pc) =	sbr.rel @!p2 .LBB2_3-.Ltmp2, $4  }
0x68: {  	[hbm4b:s21+s3] =	stream.linear.scatter [tilespmem:s22], [sflag:$0x9], $0x3200, $0x38;
	[tilespmem:$0x19E80] =	vst v63  }
0x69: {  	s21 =	sshrl.u32 @!p1 s18, $0x3;
	s22 =	rddreg [dreg:$0x1]  }
0x6a: {  	s23 =	simm.s32 @!p1 $0x200;
	s22 =	sadd.s32 @!p1 s22, s21;
	s21 =	simm.s32 @!p1 $0x0  }
0x6b: {  	[tilespmem:s23], [sflag:$0x11] =	stream.linear.gather @!p1 [hbm4b:s22+s21], $0x190, $0x38;
	[tilespmem:$0x19E80] =	vst v63  }
.Ltmp3:
0x6c: {  	(pc) =	sbr.rel .LBB2_5-.Ltmp3, $4  }
0x6d: {  	_ = 	snop  }
0x6e: {  	_ =	swait.ge [sflag:s17], $0x3200  }
0x6f: {  	[sflag:s17] =	ssyncset.done $0x0  }
0x70: {  	p2 =	por $0x0, $0x0;
	[sflag:s17] =	ssyncadd.s32 $0xFFFFCE00  }
.LBB2_3:
0x71: {  	p2 =	por @!p1 $0x1, $0x1  }
.LBB2_5:
0x72: {  	_ =	swait.ge [sflag:s29], $0x190  }
0x73: {  	[sflag:s29] =	ssyncset.done $0x0  }
0x74: {  	s22 =	simm.s32 $0x840;
	[sflag:s29] =	ssyncadd.s32 $0xFFFFFE70  }
0x75: {  	[tilespmem:s0], [sflag:$0x5] =	stream.indirect.gather [spmem:s2], $0x20, s22, s1, $0xb8;
	[tilespmem:$0x19E80] =	vst v63  }
0x76: {  	_ =	swait.ge [sflag:s6], $0x3200  }
0x77: {  	[sflag:s6] =	ssyncset.done $0x0;
	s23 =	rddreg [dreg:$0x18]  }
0x78: {  	[sflag:s6] =	ssyncadd.s32 $0xFFFFCE00;
	s22 =	sadd.s32 s20, s23;
	s23 =	simm.s32 $0x4080  }
0x79: {  	[hbm4b:s22+s3] =	stream.linear.scatter [tilespmem:s23], [sflag:$0xA], $0x3200, $0x38;
	[tilespmem:$0x19E80] =	vst v63  }
0x7a: {  	s22 =	rddreg [dreg:$0x17]  }
0x7b: {  	s23 =	simm.s32 @!p1 $0x390;
	s22 =	sadd.s32 @!p1 s19, s22  }
0x7c: {  	[tilespmem:s23], [sflag:$0x12] =	stream.linear.gather @!p1 [hbm4b:s22+s21], $0x190, $0x38;
	[tilespmem:$0x19E80] =	vst v63  }
0x7d: {  	s22 =	simm.s32 @!p2 $0xE  }
0x7e: {  	_ =	swait.ge @!p2 [sflag:s22], $0x3200  }
0x7f: {  	[sflag:s22] =	ssyncset.done @!p2 $0x0  }
0x80: {  	[sflag:s22] =	ssyncadd.s32 @!p2 $0xFFFFCE00  }
0x81: {  	_ =	swait.ge [sflag:s7], $0x190  }
0x82: {  	[sflag:s7] =	ssyncset.done $0x0  }
0x83: {  	s24 =	simm.s32 $0x9D0;
	[sflag:s7] =	ssyncadd.s32 $0xFFFFFE70  }
0x84: {  	[tilespmem:s8], [sflag:$0x6] =	stream.indirect.gather [spmem:s2], $0x20, s24, s1, $0xb8;
	[tilespmem:$0x19E80] =	vst v63  }
0x85: {  	_ =	swait.ge [sflag:s9], $0x3200  }
0x86: {  	[sflag:s9] =	ssyncset.done $0x0;
	s23 =	rddreg [dreg:$0x16]  }
0x87: {  	s24 =	simm.s32 $0x7280;
	[sflag:s9] =	ssyncadd.s32 $0xFFFFCE00;
	s22 =	sadd.s32 s20, s23  }
0x88: {  	[hbm4b:s22+s3] =	stream.linear.scatter [tilespmem:s24], [sflag:$0xB], $0x3200, $0x38;
	[tilespmem:$0x19E80] =	vst v63  }
0x89: {  	s22 =	rddreg [dreg:$0x14]  }
0x8a: {  	s23 =	simm.s32 @!p1 $0x520;
	s22 =	sadd.s32 @!p1 s19, s22  }
0x8b: {  	[tilespmem:s23], [sflag:$0x13] =	stream.linear.gather @!p1 [hbm4b:s22+s21], $0x190, $0x38;
	[tilespmem:$0x19E80] =	vst v63  }
0x8c: {  	s22 =	simm.s32 @!p2 $0xF  }
0x8d: {  	_ =	swait.ge @!p2 [sflag:s22], $0x3200  }
0x8e: {  	[sflag:s22] =	ssyncset.done @!p2 $0x0  }
0x8f: {  	[sflag:s22] =	ssyncadd.s32 @!p2 $0xFFFFCE00  }
0x90: {  	_ =	swait.ge [sflag:s28], $0x190  }
0x91: {  	[sflag:s28] =	ssyncset.done $0x0  }
0x92: {  	s23 =	simm.s32 $0xB60;
	[sflag:s28] =	ssyncadd.s32 $0xFFFFFE70  }
0x93: {  	[tilespmem:s25], [sflag:$0x7] =	stream.indirect.gather [spmem:s2], $0x20, s23, s1, $0xb8;
	[tilespmem:$0x19E80] =	vst v63  }
0x94: {  	_ =	swait.ge [sflag:s30], $0x3200  }
0x95: {  	[sflag:s30] =	ssyncset.done $0x0;
	s24 =	rddreg [dreg:$0x13]  }
0x96: {  	[sflag:s30] =	ssyncadd.s32 $0xFFFFCE00;
	s22 =	sadd.s32 s20, s24  }
0x97: {  	[hbm4b:s22+s3] =	stream.linear.scatter [tilespmem:s26], [sflag:$0xC], $0x3200, $0x38;
	[tilespmem:$0x19E80] =	vst v63  }
0x98: {  	s22 =	rddreg [dreg:$0x12]  }
0x99: {  	s23 =	simm.s32 @!p1 $0x6B0;
	s22 =	sadd.s32 @!p1 s19, s22  }
0x9a: {  	[tilespmem:s23], [sflag:$0x14] =	stream.linear.gather @!p1 [hbm4b:s22+s21], $0x190, $0x38;
	[tilespmem:$0x19E80] =	vst v63  }
0x9b: {  	s21 =	simm.s32 @!p2 $0x10  }
0x9c: {  	_ =	swait.ge @!p2 [sflag:s21], $0x3200  }
0x9d: {  	[sflag:s21] =	ssyncset.done @!p2 $0x0  }
0x9e: {  	[sflag:s21] =	ssyncadd.s32 @!p2 $0xFFFFCE00  }
0x9f: {  	_ =	swait.ge [sflag:s10], $0x190  }
0xa0: {  	[sflag:s10] =	ssyncset.done $0x0  }
0xa1: {  	[sflag:s10] =	ssyncadd.s32 $0xFFFFFE70  }
0xa2: {  	[tilespmem:s11], [sflag:$0x8] =	stream.indirect.gather [spmem:s2], $0x20, s31, s1, $0xb8;
	[tilespmem:$0x19E80] =	vst v63  }
0xa3: {  	_ =	swait.ge [sflag:s12], $0x3200  }
0xa4: {  	[sflag:s12] =	ssyncset.done $0x0;
	s23 =	rddreg [dreg:$0x11]  }
0xa5: {  	[sflag:s12] =	ssyncadd.s32 $0xFFFFCE00;
	s21 =	sadd.s32 s20, s23  }
0xa6: {  	[hbm4b:s21+s3] =	stream.linear.scatter [tilespmem:s0], [sflag:$0xD], $0x3200, $0x38;
	[tilespmem:$0x19E80] =	vst v63  }
0xa7: {  	p2 =	sne.s32 s20, $0x2EE00;
	s21 =	rddreg [dreg:$0x10]  }
0xa8: {  	s22 =	simm.s32 @p2 $0x0;
	s23 =	simm.s32 @p2 $0x840;
	s21 =	sadd.s32 @p2 s19, s21  }
0xa9: {  	[tilespmem:s23], [sflag:$0x15] =	stream.linear.gather @p2 [hbm4b:s21+s22], $0x190, $0x38;
	[tilespmem:$0x19E80] =	vst v63  }
0xaa: {  	s21 =	simm.s32 @p2 $0x9  }
0xab: {  	_ =	swait.ge @p2 [sflag:s21], $0x3200  }
0xac: {  	[sflag:s21] =	ssyncset.done @p2 $0x0  }
0xad: {  	[sflag:s21] =	ssyncadd.s32 @p2 $0xFFFFCE00;
	s21 =	simm.s32 @p2 $0x11  }
0xae: {  	_ =	swait.ge @p2 [sflag:s21], $0x190  }
0xaf: {  	s24 =	simm.s32 @p2 $0xE80;
	[sflag:s21] =	ssyncset.done @p2 $0x0  }
0xb0: {  	s23 =	simm.s32 @p2 $0x200;
	[sflag:s21] =	ssyncadd.s32 @p2 $0xFFFFFE70;
	s21 =	simm.s32 @p2 $0x190  }
0xb1: {  	[tilespmem:s24], [sflag:$0x1] =	stream.indirect.gather @p2 [spmem:s2], $0x20, s23, s21, $0xb8;
	[tilespmem:$0x19E80] =	vst v63  }
0xb2: {  	s23 =	simm.s32 @!p2 $0x9  }
0xb3: {  	_ =	swait.ge @!p2 [sflag:s23], $0x3200  }
0xb4: {  	[sflag:s23] =	ssyncset.done @!p2 $0x0  }
0xb5: {  	[sflag:s23] =	ssyncadd.s32 @!p2 $0xFFFFCE00  }
0xb6: {  	_ =	swait.ge [sflag:s13], $0x3200  }
0xb7: {  	[sflag:s13] =	ssyncset.done $0x0;
	s24 =	rddreg [dreg:$0xf]  }
0xb8: {  	[sflag:s13] =	ssyncadd.s32 $0xFFFFCE00;
	s23 =	sadd.s32 s20, s24  }
0xb9: {  	[hbm4b:s23+s3] =	stream.linear.scatter [tilespmem:s8], [sflag:$0xE], $0x3200, $0x38;
	[tilespmem:$0x19E80] =	vst v63  }
0xba: {  	s23 =	rddreg [dreg:$0xe]  }
0xbb: {  	s24 =	simm.s32 @p2 $0x9D0;
	s23 =	sadd.s32 @p2 s19, s23  }
0xbc: {  	[tilespmem:s24], [sflag:$0x16] =	stream.linear.gather @p2 [hbm4b:s23+s22], $0x190, $0x38;
	[tilespmem:$0x19E80] =	vst v63  }
0xbd: {  	s23 =	simm.s32 @p2 $0xA  }
0xbe: {  	_ =	swait.ge @p2 [sflag:s23], $0x3200  }
0xbf: {  	[sflag:s23] =	ssyncset.done @p2 $0x0  }
0xc0: {  	[sflag:s23] =	ssyncadd.s32 @p2 $0xFFFFCE00;
	s23 =	simm.s32 @p2 $0x12  }
0xc1: {  	_ =	swait.ge @p2 [sflag:s23], $0x190  }
0xc2: {  	[sflag:s23] =	ssyncset.done @p2 $0x0  }
0xc3: {  	s24 =	simm.s32 @p2 $0x4080;
	[sflag:s23] =	ssyncadd.s32 @p2 $0xFFFFFE70;
	s23 =	simm.s32 @p2 $0x390  }
0xc4: {  	[tilespmem:s24], [sflag:$0x2] =	stream.indirect.gather @p2 [spmem:s2], $0x20, s23, s21, $0xb8;
	[tilespmem:$0x19E80] =	vst v63  }
0xc5: {  	s23 =	simm.s32 @!p2 $0xA  }
0xc6: {  	_ =	swait.ge @!p2 [sflag:s23], $0x3200  }
0xc7: {  	[sflag:s23] =	ssyncset.done @!p2 $0x0  }
0xc8: {  	[sflag:s23] =	ssyncadd.s32 @!p2 $0xFFFFCE00  }
0xc9: {  	_ =	swait.ge [sflag:s14], $0x3200  }
0xca: {  	[sflag:s14] =	ssyncset.done $0x0;
	s24 =	rddreg [dreg:$0xd]  }
0xcb: {  	[sflag:s14] =	ssyncadd.s32 $0xFFFFCE00;
	s23 =	sadd.s32 s20, s24  }
0xcc: {  	[hbm4b:s23+s3] =	stream.linear.scatter [tilespmem:s25], [sflag:$0xF], $0x3200, $0x38;
	[tilespmem:$0x19E80] =	vst v63  }
0xcd: {  	s23 =	rddreg [dreg:$0xc]  }
0xce: {  	s24 =	simm.s32 @p2 $0xB60;
	s23 =	sadd.s32 @p2 s19, s23  }
0xcf: {  	[tilespmem:s24], [sflag:$0x17] =	stream.linear.gather @p2 [hbm4b:s23+s22], $0x190, $0x38;
	[tilespmem:$0x19E80] =	vst v63  }
0xd0: {  	s22 =	simm.s32 @p2 $0xB  }
0xd1: {  	_ =	swait.ge @p2 [sflag:s22], $0x3200  }
0xd2: {  	[sflag:s22] =	ssyncset.done @p2 $0x0  }
0xd3: {  	[sflag:s22] =	ssyncadd.s32 @p2 $0xFFFFCE00;
	s22 =	simm.s32 @p2 $0x13  }
0xd4: {  	_ =	swait.ge @p2 [sflag:s22], $0x190  }
0xd5: {  	[sflag:s22] =	ssyncset.done @p2 $0x0  }
0xd6: {  	s23 =	simm.s32 @p2 $0x7280;
	[sflag:s22] =	ssyncadd.s32 @p2 $0xFFFFFE70;
	s22 =	simm.s32 @p2 $0x520  }
0xd7: {  	[tilespmem:s23], [sflag:$0x3] =	stream.indirect.gather @p2 [spmem:s2], $0x20, s22, s21, $0xb8;
	[tilespmem:$0x19E80] =	vst v63  }
0xd8: {  	s21 =	simm.s32 @!p2 $0xB  }
0xd9: {  	_ =	swait.ge @!p2 [sflag:s21], $0x3200  }
0xda: {  	[sflag:s21] =	ssyncset.done @!p2 $0x0  }
.Ltmp4:
0xdb: {  	[sflag:s21] =	ssyncadd.s32 @!p2 $0xFFFFCE00;
	(pc) =	sbr.rel @p1 .LBB2_7-.Ltmp4, $4  }
0xdc: {  	_ =	swait.ge [sflag:s15], $0x3200  }
0xdd: {  	[sflag:s15] =	ssyncset.done $0x0;
	s24 =	rddreg [dreg:$0xb]  }
0xde: {  	[sflag:s15] =	ssyncadd.s32 $0xFFFFCE00;
	s21 =	sadd.s32 s20, s24  }
0xdf: {  	[hbm4b:s21+s3] =	stream.linear.scatter [tilespmem:s11], [sflag:$0x10], $0x3200, $0x38;
	[tilespmem:$0x19E80] =	vst v63  }
0xe0: {  	s21 =	rddreg [dreg:$0xa]  }
0xe1: {  	s21 =	sadd.s32 s19, s21  }
0xe2: {  	[tilespmem:s31], [sflag:$0x18] =	stream.linear.gather [hbm4b:s21+s3], $0x190, $0x38;
	[tilespmem:$0x19E80] =	vst v63  }
0xe3: {  	_ =	swait.ge [sflag:s16], $0x3200  }
0xe4: {  	[sflag:s16] =	ssyncset.done $0x0  }
.Ltmp5:
0xe5: {  	[sflag:s16] =	ssyncadd.s32 $0xFFFFCE00;
	(pc) =	sbr.rel .LBB2_2-.Ltmp5, $4  }
0xe6: {  	_ =	swait.ge [sflag:s5], $0x190  }
0xe7: {  	s24 =	simm.s32 $0x6B0;
	s20 =	sadd.s32 $0x3200, s20;
	[sflag:s5] =	ssyncset.done $0x0  }
0xe8: {  	s18 =	sadd.s32 $0xC80, s18;
	s19 =	sadd.s32 $0x190, s19;
	[sflag:s5] =	ssyncadd.s32 $0xFFFFFE70  }
0xe9: {  	[tilespmem:s26], [sflag:$0x4] =	stream.indirect.gather [spmem:s2], $0x20, s24, s1, $0xb8;
	[tilespmem:$0x19E80] =	vst v63  }
.LBB2_8:
0xea: {  	_ =	sfence.sel $0x180000  }
0xeb: {  	[bflag:$0x0] =	sbarrier.arrive $0xFFFF  }
0xec: {  	_ =	strace $0x90000047  }
0xed: {  	[bflag:$0x2] =	sbarrier.arrive $0xFFFF  }
0xee: {  	s0 =	rddreg [dreg:$0x3]  }
0xef: {  	s0 =	sadd.s32 @!p0 $0x100000, s0  }
0xf0: {  	[sflag:s0] =	ssyncadd.tile.s32 @!p0 $0x1;
	_ =	shalt  }
.Lfunc_end2:
_tile_overlayer_lowered:
.L_overlay_start_2:
0xf1: {  	(tag) =	ssettag $0x2  }
0xf2: {  	s0 =	rddreg [dreg:$0x0];
	s2 =	stileid.u32  }
0xf3: {  	s1 =	rddreg [dreg:$0x1];
	p0 =	sne.s32 s2, $0x0  }
0xf4: {  	s3 =	rddreg [dreg:$0x2];
	[bflag:$0x3] =	sbarrier.arrive $0xFFFF;
	s2 =	simm.s32 @!p0 $0x1C19  }
0xf5: {  	[timem:s3], [sflag:s2] =	dma.local @!p0 [hbm:s0], s1  }
0xf6: {  	s0 =	simm.s32 @!p0 $0x19  }
0xf7: {  	_ =	swait.ge @!p0 [sflag:s0], s1  }
0xf8: {  	s1 =	ssub.s32 @!p0 $0x0, s1;
	[sflag:s0] =	ssyncset.done @!p0 $0x0  }
0xf9: {  	[sflag:s0] =	ssyncadd.s32 @!p0 s1  }
0xfa: {  	[bflag:$0x3] =	sbarrier.arrive $0xFFFF  }
0xfb: {  	_ =	shalt  }

</sc_bundles>
